<compile_context>
chip_gen: v7x
topology: tpu7x:2x2x1
jax: 0.10.2.dev20260603
libtpu: 0.0.44.dev20260713+nightly
codegen_flags: <defaults>
</compile_context>

<pallas_src>
import functools

import jax
import jax.numpy as jnp
from jax import lax
from jax.experimental import pallas as pl
from jax.experimental.pallas import tpu as pltpu
from jax.experimental.pallas import tpu_sc as plsc

N = 10000
C = 128
E = 320000
NC = 2
NS = 16
NW = NC * NS
K = 125
CH = 80
CB = 40
NB = CH // CB
EPT = CH * K
N_PAD = 10240
RPT = N_PAD // NS
LANES = 16


def _sc_scatter_sum(xp, e4):
    mesh = plsc.VectorSubcoreMesh(core_axis_name="c", subcore_axis_name="s")

    @functools.partial(
        pl.kernel,
        out_type=jax.ShapeDtypeStruct((NC, N_PAD, C), jnp.float32),
        mesh=mesh,
        scratch_types=[
            pltpu.VMEM((CB, K), jnp.int32),
            pltpu.VMEM((CB, K), jnp.int32),
            [pltpu.VMEM((K, C), jnp.float32)] * 2,
            pltpu.VMEM_SHARED((N_PAD, C), jnp.float32),
            [pltpu.SemaphoreType.DMA] * 2,
            [pltpu.SemaphoreType.DMA] * 2,
        ],
    )
    def body(x_hbm, e_hbm, out_hbm, src_v, dst_v, msgs_v, acc,
             gsem, ssem):
        core = lax.axis_index("c")
        sid = lax.axis_index("s")
        wid = core * NS + sid

        def zrow(i, carry):
            for j in range(C // LANES):
                msgs_v[0][i, pl.ds(j * LANES, LANES)] = jnp.zeros(
                    (LANES,), jnp.float32)
            return carry
        lax.fori_loop(0, K, zrow, 0)
        zc = 40
        for t in range(RPT // zc):
            pltpu.sync_copy(msgs_v[0].at[pl.ds(0, zc)],
                            acc.at[pl.ds(sid * RPT + t * zc, zc)])

        plsc.subcore_barrier()

        def gather(j, b):
            return pltpu.make_async_copy(x_hbm.at[src_v.at[j]],
                                         msgs_v[b], gsem[b])

        def scatter(j, b):
            return pltpu.make_async_copy(msgs_v[b],
                                         acc.at[dst_v.at[j]], ssem[b])

        for blk in range(NB):
            pltpu.sync_copy(e_hbm.at[0, wid, pl.ds(blk * CB, CB)], src_v)
            pltpu.sync_copy(e_hbm.at[1, wid, pl.ds(blk * CB, CB)], dst_v)
            gather(0, 0).start()

            def pair(p, carry):
                for b in range(2):
                    j = 2 * p + b
                    gather(j, b).wait()
                    scatter(j, b).start(add=True)

                    @pl.when((j >= 1) & (j + 1 < CB))
                    def _():
                        scatter(j - 1, 1 - b).wait()

                    @pl.when(j + 1 < CB)
                    def _():
                        gather(j + 1, 1 - b).start()
                return carry
            lax.fori_loop(0, CB // 2, pair, 0)
            scatter(CB - 2, 0).wait()
            scatter(CB - 1, 1).wait()

        plsc.subcore_barrier()
        pltpu.sync_copy(acc.at[pl.ds(sid * RPT, RPT)],
                        out_hbm.at[core, pl.ds(sid * RPT, RPT)])

    return body(xp, e4)


def _combine_body(p_ref, o_ref):
    o_ref[...] = p_ref[0] + p_ref[1]


def _tc_combine(partial):
    rb = 2000
    return pl.pallas_call(
        _combine_body,
        grid=(N // rb,),
        in_specs=[pl.BlockSpec((NC, rb, C), lambda i: (0, i, 0))],
        out_specs=pl.BlockSpec((rb, C), lambda i: (i, 0)),
        out_shape=jax.ShapeDtypeStruct((N, C), jnp.float32),
    )(partial)


def kernel(x, edge_index):
    xp = jnp.transpose(x.reshape(C, N))
    e4 = edge_index.astype(jnp.int32).reshape(2, NW, CH, K)
    partial = _sc_scatter_sum(xp, e4)
    out_nc = _tc_combine(partial)
    return jnp.transpose(out_nc).reshape(1, C, N, 1)

# --- scband reference (transcript-rebuilt; emitter-appended) ---
"""Pipeline reference for scband-message-passing-layer-9208409883144 (READ-ONLY COPY).

The authoritative reference and input builder live on the scoring server;
editing this copy changes nothing except your own understanding.
"""

import jax, jax.numpy as jnp
import numpy as np

B, C, N, W = 1, 128, 10000, 1
E = 320000

def setup_inputs(seed: int = 0) -> dict:
    key = jax.random.key(seed)
    k1, k2 = jax.random.split(key)
    x = jax.random.normal(k1, (B, C, N, W), dtype=jnp.float32)
    edge_index = jax.random.randint(k2, (2, E), 0, N, dtype=jnp.int64)
    return {"x": x, "edge_index": edge_index}

def reference(x, edge_index):
    # MessagePassingLayer.forward: permute NCHW -> NHWC, mp_sum over edges, permute back.
    # mp_sum: for each edge (src, dst): out[:, dst] += in[:, src] (sum aggregation over node dim).
    xp = jnp.transpose(x, (0, 2, 3, 1))  # [B, N, W, C]
    src = edge_index[0]
    dst = edge_index[1]
    msgs = jnp.take(xp, src, axis=1)  # gather source node features [B, E, W, C]
    out = jnp.zeros_like(xp).at[:, dst].add(msgs)  # scatter-add to destination nodes
    out = jnp.transpose(out, (0, 3, 1, 2))  # back to [B, C, N, W]
    return out

if __name__ == "__main__":
    import jax
    _d = setup_inputs()
    print(jax.jit(kernel)(*tuple(_d.values())))

</pallas_src>

<mosaic_0001>
#map = affine_map<(d0, d1) -> (0, 0)>
#map1 = affine_map<(d0, d1) -> (0, 0, 0, 0)>
#map2 = affine_map<(d0, d1) -> (0, 0, 0)>
module attributes {stable_mosaic.version = 14 : i64} {
  func.func @body(%arg0: i32, %arg1: i32, %arg2: memref<10000x128xf32, #tpu.memory_space<hbm>>, %arg3: memref<2x32x80x125xi32, #tpu.memory_space<hbm>>, %arg4: memref<2x10240x128xf32, #tpu.memory_space<hbm>>, %arg5: memref<40x125xi32, #tpu.memory_space<vmem>>, %arg6: memref<40x125xi32, #tpu.memory_space<vmem>>, %arg7: memref<125x128xf32, #tpu.memory_space<vmem>>, %arg8: memref<125x128xf32, #tpu.memory_space<vmem>>, %arg9: memref<10240x128xf32, #tpu.memory_space<vmem_shared>>, %arg10: memref<!tpu.dma_semaphore, #tpu.memory_space<semaphore_mem>>, %arg11: memref<!tpu.dma_semaphore, #tpu.memory_space<semaphore_mem>>, %arg12: memref<!tpu.dma_semaphore, #tpu.memory_space<semaphore_mem>>, %arg13: memref<!tpu.dma_semaphore, #tpu.memory_space<semaphore_mem>>) attributes {dimension_semantics = [#tpu.dimension_semantics<core_parallel>, #tpu.dimension_semantics<subcore_parallel>], iteration_bounds = array<i64: 2, 16>, scalar_prefetch = 0 : i64, scratch_operands = 9 : i64, tpu.core_type = #tpu.core_type<sc_vector_subcore>, window_params = [{transform_indices = #map}, {transform_indices = #map1}, {transform_indices = #map2}]} {
    %mul3A = arith.constant 16 : i32
    %mul3A_0 = arith.muli %arg0, %mul3A : i32
    %add3A = arith.addi %mul3A_0, %arg1 : i32
    %scan3A = arith.constant 0 : i32
    %scan3A_1 = arith.constant 0 : i32
    %scan3A_2 = arith.constant 125 : i32
    %scan3A_3 = arith.addi %scan3A_1, %scan3A_2 : i32
    %scan3A_4 = arith.constant 1 : i32
    scf.for %scan3A_130 = %scan3A_1 to %scan3A_3 step %scan3A_4  : i32 {
      %broadcast_in_dim3A = arith.constant 0.000000e+00 : f32
      %broadcast_in_dim3A_131 = vector.broadcast %broadcast_in_dim3A : f32 to vector<16xf32>
      %swap3A = arith.index_cast %scan3A_130 : i32 to index
      %swap3A_132 = arith.constant 0 : index
      %swap3A_133 = tpu.vector_load %arg7[%swap3A, %swap3A_132] {strides = array<i32>} : memref<125x128xf32, #tpu.memory_space<vmem>>, vector<1x16xf32>,
      %swap3A_134 = vector.shape_cast %swap3A_133 : vector<1x16xf32> to vector<16xf32>
      %swap3A_135 = vector.shape_cast %broadcast_in_dim3A_131 : vector<16xf32> to vector<1x16xf32>
      tpu.vector_store %arg7[%swap3A, %swap3A_132], %swap3A_135 {strides = array<i32>} : memref<125x128xf32, #tpu.memory_space<vmem>>, vector<1x16xf32>,
      %broadcast_in_dim3A_136 = arith.constant 0.000000e+00 : f32
      %broadcast_in_dim3A_137 = vector.broadcast %broadcast_in_dim3A_136 : f32 to vector<16xf32>
      %swap3A_138 = arith.index_cast %scan3A_130 : i32 to index
      %swap3A_139 = arith.constant 16 : index
      %swap3A_140 = tpu.vector_load %arg7[%swap3A_138, %swap3A_139] {strides = array<i32>} : memref<125x128xf32, #tpu.memory_space<vmem>>, vector<1x16xf32>,
      %swap3A_141 = vector.shape_cast %swap3A_140 : vector<1x16xf32> to vector<16xf32>
      %swap3A_142 = vector.shape_cast %broadcast_in_dim3A_137 : vector<16xf32> to vector<1x16xf32>
      tpu.vector_store %arg7[%swap3A_138, %swap3A_139], %swap3A_142 {strides = array<i32>} : memref<125x128xf32, #tpu.memory_space<vmem>>, vector<1x16xf32>,
      %broadcast_in_dim3A_143 = arith.constant 0.000000e+00 : f32
      %broadcast_in_dim3A_144 = vector.broadcast %broadcast_in_dim3A_143 : f32 to vector<16xf32>
      %swap3A_145 = arith.index_cast %scan3A_130 : i32 to index
      %swap3A_146 = arith.constant 32 : index
      %swap3A_147 = tpu.vector_load %arg7[%swap3A_145, %swap3A_146] {strides = array<i32>} : memref<125x128xf32, #tpu.memory_space<vmem>>, vector<1x16xf32>,
      %swap3A_148 = vector.shape_cast %swap3A_147 : vector<1x16xf32> to vector<16xf32>
      %swap3A_149 = vector.shape_cast %broadcast_in_dim3A_144 : vector<16xf32> to vector<1x16xf32>
      tpu.vector_store %arg7[%swap3A_145, %swap3A_146], %swap3A_149 {strides = array<i32>} : memref<125x128xf32, #tpu.memory_space<vmem>>, vector<1x16xf32>,
      %broadcast_in_dim3A_150 = arith.constant 0.000000e+00 : f32
      %broadcast_in_dim3A_151 = vector.broadcast %broadcast_in_dim3A_150 : f32 to vector<16xf32>
      %swap3A_152 = arith.index_cast %scan3A_130 : i32 to index
      %swap3A_153 = arith.constant 48 : index
      %swap3A_154 = tpu.vector_load %arg7[%swap3A_152, %swap3A_153] {strides = array<i32>} : memref<125x128xf32, #tpu.memory_space<vmem>>, vector<1x16xf32>,
      %swap3A_155 = vector.shape_cast %swap3A_154 : vector<1x16xf32> to vector<16xf32>
      %swap3A_156 = vector.shape_cast %broadcast_in_dim3A_151 : vector<16xf32> to vector<1x16xf32>
      tpu.vector_store %arg7[%swap3A_152, %swap3A_153], %swap3A_156 {strides = array<i32>} : memref<125x128xf32, #tpu.memory_space<vmem>>, vector<1x16xf32>,
      %broadcast_in_dim3A_157 = arith.constant 0.000000e+00 : f32
      %broadcast_in_dim3A_158 = vector.broadcast %broadcast_in_dim3A_157 : f32 to vector<16xf32>
      %swap3A_159 = arith.index_cast %scan3A_130 : i32 to index
      %swap3A_160 = arith.constant 64 : index
      %swap3A_161 = tpu.vector_load %arg7[%swap3A_159, %swap3A_160] {strides = array<i32>} : memref<125x128xf32, #tpu.memory_space<vmem>>, vector<1x16xf32>,
      %swap3A_162 = vector.shape_cast %swap3A_161 : vector<1x16xf32> to vector<16xf32>
      %swap3A_163 = vector.shape_cast %broadcast_in_dim3A_158 : vector<16xf32> to vector<1x16xf32>
      tpu.vector_store %arg7[%swap3A_159, %swap3A_160], %swap3A_163 {strides = array<i32>} : memref<125x128xf32, #tpu.memory_space<vmem>>, vector<1x16xf32>,
      %broadcast_in_dim3A_164 = arith.constant 0.000000e+00 : f32
      %broadcast_in_dim3A_165 = vector.broadcast %broadcast_in_dim3A_164 : f32 to vector<16xf32>
      %swap3A_166 = arith.index_cast %scan3A_130 : i32 to index
      %swap3A_167 = arith.constant 80 : index
      %swap3A_168 = tpu.vector_load %arg7[%swap3A_166, %swap3A_167] {strides = array<i32>} : memref<125x128xf32, #tpu.memory_space<vmem>>, vector<1x16xf32>,
      %swap3A_169 = vector.shape_cast %swap3A_168 : vector<1x16xf32> to vector<16xf32>
      %swap3A_170 = vector.shape_cast %broadcast_in_dim3A_165 : vector<16xf32> to vector<1x16xf32>
      tpu.vector_store %arg7[%swap3A_166, %swap3A_167], %swap3A_170 {strides = array<i32>} : memref<125x128xf32, #tpu.memory_space<vmem>>, vector<1x16xf32>,
      %broadcast_in_dim3A_171 = arith.constant 0.000000e+00 : f32
      %broadcast_in_dim3A_172 = vector.broadcast %broadcast_in_dim3A_171 : f32 to vector<16xf32>
      %swap3A_173 = arith.index_cast %scan3A_130 : i32 to index
      %swap3A_174 = arith.constant 96 : index
      %swap3A_175 = tpu.vector_load %arg7[%swap3A_173, %swap3A_174] {strides = array<i32>} : memref<125x128xf32, #tpu.memory_space<vmem>>, vector<1x16xf32>,
      %swap3A_176 = vector.shape_cast %swap3A_175 : vector<1x16xf32> to vector<16xf32>
      %swap3A_177 = vector.shape_cast %broadcast_in_dim3A_172 : vector<16xf32> to vector<1x16xf32>
      tpu.vector_store %arg7[%swap3A_173, %swap3A_174], %swap3A_177 {strides = array<i32>} : memref<125x128xf32, #tpu.memory_space<vmem>>, vector<1x16xf32>,
      %broadcast_in_dim3A_178 = arith.constant 0.000000e+00 : f32
      %broadcast_in_dim3A_179 = vector.broadcast %broadcast_in_dim3A_178 : f32 to vector<16xf32>
      %swap3A_180 = arith.index_cast %scan3A_130 : i32 to index
      %swap3A_181 = arith.constant 112 : index
      %swap3A_182 = tpu.vector_load %arg7[%swap3A_180, %swap3A_181] {strides = array<i32>} : memref<125x128xf32, #tpu.memory_space<vmem>>, vector<1x16xf32>,
      %swap3A_183 = vector.shape_cast %swap3A_182 : vector<1x16xf32> to vector<16xf32>
      %swap3A_184 = vector.shape_cast %broadcast_in_dim3A_179 : vector<16xf32> to vector<1x16xf32>
      tpu.vector_store %arg7[%swap3A_180, %swap3A_181], %swap3A_184 {strides = array<i32>} : memref<125x128xf32, #tpu.memory_space<vmem>>, vector<1x16xf32>,
    }
    %scan3A_5 = arith.constant 125 : i32
    %mul3A_6 = arith.constant 640 : i32
    %mul3A_7 = arith.muli %arg1, %mul3A_6 : i32
    %add3A_8 = arith.constant 0 : i32
    %add3A_9 = arith.addi %mul3A_7, %add3A_8 : i32
    "tpu.region"() ({
      %run_scoped3A_130 = tpu.sem_alloc : memref<!tpu.dma_semaphore, #tpu.memory_space<semaphore_mem>>
      %dma_start3A_131 = arith.constant 0 : i32
      %dma_start3A_132 = arith.constant 0 : i32
      %dma_start3A_133 = tpu.memref_slice %arg7[%dma_start3A_131, %dma_start3A_132] : memref<125x128xf32, #tpu.memory_space<vmem>> -> memref<40x128xf32, #tpu.memory_space<vmem>>
      %dma_start3A_134 = arith.constant 0 : i32
      %dma_start3A_135 = tpu.memref_slice %arg9[%add3A_9, %dma_start3A_134] : memref<10240x128xf32, #tpu.memory_space<vmem_shared>> -> memref<40x128xf32, #tpu.memory_space<vmem_shared>>
      %dma_start3A_136 = arith.constant 0 : i32
      %dma_start3A_137 = tpu.memref_slice %arg9[%add3A_9, %dma_start3A_136] : memref<10240x128xf32, #tpu.memory_space<vmem_shared>> -> memref<40x128xf32, #tpu.memory_space<vmem_shared>>
      %dma_start3A_138 = arith.constant 0 : i32
      %dma_start3A_139 = arith.constant 0 : i32
      %dma_start3A_140 = tpu.memref_slice %arg7[%dma_start3A_138, %dma_start3A_139] : memref<125x128xf32, #tpu.memory_space<vmem>> -> memref<40x128xf32, #tpu.memory_space<vmem>>
      tpu.enqueue_dma source(%dma_start3A_140 : memref<40x128xf32, #tpu.memory_space<vmem>>) target(%dma_start3A_137 : memref<40x128xf32, #tpu.memory_space<vmem_shared>>) target_semaphore(%run_scoped3A_130 : memref<!tpu.dma_semaphore, #tpu.memory_space<semaphore_mem>>)
      %dma_wait3A_141 = arith.constant 0 : i32
      %dma_wait3A_142 = arith.constant 0 : i32
      %dma_wait3A_143 = tpu.memref_slice %arg7[%dma_wait3A_141, %dma_wait3A_142] : memref<125x128xf32, #tpu.memory_space<vmem>> -> memref<40x128xf32, #tpu.memory_space<vmem>>
      %dma_wait3A_144 = arith.constant 0 : i32
      %dma_wait3A_145 = tpu.memref_slice %arg9[%add3A_9, %dma_wait3A_144] : memref<10240x128xf32, #tpu.memory_space<vmem_shared>> -> memref<40x128xf32, #tpu.memory_space<vmem_shared>>
      %dma_wait3A_146 = arith.constant 0 : i32
      %dma_wait3A_147 = tpu.memref_slice %arg9[%add3A_9, %dma_wait3A_146] : memref<10240x128xf32, #tpu.memory_space<vmem_shared>> -> memref<40x128xf32, #tpu.memory_space<vmem_shared>>
      %dma_wait3A_148 = arith.constant 0 : i32
      %dma_wait3A_149 = arith.constant 0 : i32
      %dma_wait3A_150 = tpu.memref_slice %arg7[%dma_wait3A_148, %dma_wait3A_149] : memref<125x128xf32, #tpu.memory_space<vmem>> -> memref<40x128xf32, #tpu.memory_space<vmem>>
      tpu.wait_dma2 semaphore(%run_scoped3A_130 : memref<!tpu.dma_semaphore, #tpu.memory_space<semaphore_mem>>) src(%dma_wait3A_150 : memref<40x128xf32, #tpu.memory_space<vmem>>) dst(%dma_wait3A_147 : memref<40x128xf32, #tpu.memory_space<vmem_shared>>)
      tpu.yield
    }) : () -> ()
    %mul3A_10 = arith.constant 640 : i32
    %mul3A_11 = arith.muli %arg1, %mul3A_10 : i32
    %add3A_12 = arith.constant 40 : i32
    %add3A_13 = arith.addi %mul3A_11, %add3A_12 : i32
    "tpu.region"() ({
      %run_scoped3A_130 = tpu.sem_alloc : memref<!tpu.dma_semaphore, #tpu.memory_space<semaphore_mem>>
      %dma_start3A_131 = arith.constant 0 : i32
      %dma_start3A_132 = arith.constant 0 : i32
      %dma_start3A_133 = tpu.memref_slice %arg7[%dma_start3A_131, %dma_start3A_132] : memref<125x128xf32, #tpu.memory_space<vmem>> -> memref<40x128xf32, #tpu.memory_space<vmem>>
      %dma_start3A_134 = arith.constant 0 : i32
      %dma_start3A_135 = tpu.memref_slice %arg9[%add3A_13, %dma_start3A_134] : memref<10240x128xf32, #tpu.memory_space<vmem_shared>> -> memref<40x128xf32, #tpu.memory_space<vmem_shared>>
      %dma_start3A_136 = arith.constant 0 : i32
      %dma_start3A_137 = tpu.memref_slice %arg9[%add3A_13, %dma_start3A_136] : memref<10240x128xf32, #tpu.memory_space<vmem_shared>> -> memref<40x128xf32, #tpu.memory_space<vmem_shared>>
      %dma_start3A_138 = arith.constant 0 : i32
      %dma_start3A_139 = arith.constant 0 : i32
      %dma_start3A_140 = tpu.memref_slice %arg7[%dma_start3A_138, %dma_start3A_139] : memref<125x128xf32, #tpu.memory_space<vmem>> -> memref<40x128xf32, #tpu.memory_space<vmem>>
      tpu.enqueue_dma source(%dma_start3A_140 : memref<40x128xf32, #tpu.memory_space<vmem>>) target(%dma_start3A_137 : memref<40x128xf32, #tpu.memory_space<vmem_shared>>) target_semaphore(%run_scoped3A_130 : memref<!tpu.dma_semaphore, #tpu.memory_space<semaphore_mem>>)
      %dma_wait3A_141 = arith.constant 0 : i32
      %dma_wait3A_142 = arith.constant 0 : i32
      %dma_wait3A_143 = tpu.memref_slice %arg7[%dma_wait3A_141, %dma_wait3A_142] : memref<125x128xf32, #tpu.memory_space<vmem>> -> memref<40x128xf32, #tpu.memory_space<vmem>>
      %dma_wait3A_144 = arith.constant 0 : i32
      %dma_wait3A_145 = tpu.memref_slice %arg9[%add3A_13, %dma_wait3A_144] : memref<10240x128xf32, #tpu.memory_space<vmem_shared>> -> memref<40x128xf32, #tpu.memory_space<vmem_shared>>
      %dma_wait3A_146 = arith.constant 0 : i32
      %dma_wait3A_147 = tpu.memref_slice %arg9[%add3A_13, %dma_wait3A_146] : memref<10240x128xf32, #tpu.memory_space<vmem_shared>> -> memref<40x128xf32, #tpu.memory_space<vmem_shared>>
      %dma_wait3A_148 = arith.constant 0 : i32
      %dma_wait3A_149 = arith.constant 0 : i32
      %dma_wait3A_150 = tpu.memref_slice %arg7[%dma_wait3A_148, %dma_wait3A_149] : memref<125x128xf32, #tpu.memory_space<vmem>> -> memref<40x128xf32, #tpu.memory_space<vmem>>
      tpu.wait_dma2 semaphore(%run_scoped3A_130 : memref<!tpu.dma_semaphore, #tpu.memory_space<semaphore_mem>>) src(%dma_wait3A_150 : memref<40x128xf32, #tpu.memory_space<vmem>>) dst(%dma_wait3A_147 : memref<40x128xf32, #tpu.memory_space<vmem_shared>>)
      tpu.yield
    }) : () -> ()
    %mul3A_14 = arith.constant 640 : i32
    %mul3A_15 = arith.muli %arg1, %mul3A_14 : i32
    %add3A_16 = arith.constant 80 : i32
    %add3A_17 = arith.addi %mul3A_15, %add3A_16 : i32
    "tpu.region"() ({
      %run_scoped3A_130 = tpu.sem_alloc : memref<!tpu.dma_semaphore, #tpu.memory_space<semaphore_mem>>
      %dma_start3A_131 = arith.constant 0 : i32
      %dma_start3A_132 = arith.constant 0 : i32
      %dma_start3A_133 = tpu.memref_slice %arg7[%dma_start3A_131, %dma_start3A_132] : memref<125x128xf32, #tpu.memory_space<vmem>> -> memref<40x128xf32, #tpu.memory_space<vmem>>
      %dma_start3A_134 = arith.constant 0 : i32
      %dma_start3A_135 = tpu.memref_slice %arg9[%add3A_17, %dma_start3A_134] : memref<10240x128xf32, #tpu.memory_space<vmem_shared>> -> memref<40x128xf32, #tpu.memory_space<vmem_shared>>
      %dma_start3A_136 = arith.constant 0 : i32
      %dma_start3A_137 = tpu.memref_slice %arg9[%add3A_17, %dma_start3A_136] : memref<10240x128xf32, #tpu.memory_space<vmem_shared>> -> memref<40x128xf32, #tpu.memory_space<vmem_shared>>
      %dma_start3A_138 = arith.constant 0 : i32
      %dma_start3A_139 = arith.constant 0 : i32
      %dma_start3A_140 = tpu.memref_slice %arg7[%dma_start3A_138, %dma_start3A_139] : memref<125x128xf32, #tpu.memory_space<vmem>> -> memref<40x128xf32, #tpu.memory_space<vmem>>
      tpu.enqueue_dma source(%dma_start3A_140 : memref<40x128xf32, #tpu.memory_space<vmem>>) target(%dma_start3A_137 : memref<40x128xf32, #tpu.memory_space<vmem_shared>>) target_semaphore(%run_scoped3A_130 : memref<!tpu.dma_semaphore, #tpu.memory_space<semaphore_mem>>)
      %dma_wait3A_141 = arith.constant 0 : i32
      %dma_wait3A_142 = arith.constant 0 : i32
      %dma_wait3A_143 = tpu.memref_slice %arg7[%dma_wait3A_141, %dma_wait3A_142] : memref<125x128xf32, #tpu.memory_space<vmem>> -> memref<40x128xf32, #tpu.memory_space<vmem>>
      %dma_wait3A_144 = arith.constant 0 : i32
      %dma_wait3A_145 = tpu.memref_slice %arg9[%add3A_17, %dma_wait3A_144] : memref<10240x128xf32, #tpu.memory_space<vmem_shared>> -> memref<40x128xf32, #tpu.memory_space<vmem_shared>>
      %dma_wait3A_146 = arith.constant 0 : i32
      %dma_wait3A_147 = tpu.memref_slice %arg9[%add3A_17, %dma_wait3A_146] : memref<10240x128xf32, #tpu.memory_space<vmem_shared>> -> memref<40x128xf32, #tpu.memory_space<vmem_shared>>
      %dma_wait3A_148 = arith.constant 0 : i32
      %dma_wait3A_149 = arith.constant 0 : i32
      %dma_wait3A_150 = tpu.memref_slice %arg7[%dma_wait3A_148, %dma_wait3A_149] : memref<125x128xf32, #tpu.memory_space<vmem>> -> memref<40x128xf32, #tpu.memory_space<vmem>>
      tpu.wait_dma2 semaphore(%run_scoped3A_130 : memref<!tpu.dma_semaphore, #tpu.memory_space<semaphore_mem>>) src(%dma_wait3A_150 : memref<40x128xf32, #tpu.memory_space<vmem>>) dst(%dma_wait3A_147 : memref<40x128xf32, #tpu.memory_space<vmem_shared>>)
      tpu.yield
    }) : () -> ()
    %mul3A_18 = arith.constant 640 : i32
    %mul3A_19 = arith.muli %arg1, %mul3A_18 : i32
    %add3A_20 = arith.constant 120 : i32
    %add3A_21 = arith.addi %mul3A_19, %add3A_20 : i32
    "tpu.region"() ({
      %run_scoped3A_130 = tpu.sem_alloc : memref<!tpu.dma_semaphore, #tpu.memory_space<semaphore_mem>>
      %dma_start3A_131 = arith.constant 0 : i32
      %dma_start3A_132 = arith.constant 0 : i32
      %dma_start3A_133 = tpu.memref_slice %arg7[%dma_start3A_131, %dma_start3A_132] : memref<125x128xf32, #tpu.memory_space<vmem>> -> memref<40x128xf32, #tpu.memory_space<vmem>>
      %dma_start3A_134 = arith.constant 0 : i32
      %dma_start3A_135 = tpu.memref_slice %arg9[%add3A_21, %dma_start3A_134] : memref<10240x128xf32, #tpu.memory_space<vmem_shared>> -> memref<40x128xf32, #tpu.memory_space<vmem_shared>>
      %dma_start3A_136 = arith.constant 0 : i32
      %dma_start3A_137 = tpu.memref_slice %arg9[%add3A_21, %dma_start3A_136] : memref<10240x128xf32, #tpu.memory_space<vmem_shared>> -> memref<40x128xf32, #tpu.memory_space<vmem_shared>>
      %dma_start3A_138 = arith.constant 0 : i32
      %dma_start3A_139 = arith.constant 0 : i32
      %dma_start3A_140 = tpu.memref_slice %arg7[%dma_start3A_138, %dma_start3A_139] : memref<125x128xf32, #tpu.memory_space<vmem>> -> memref<40x128xf32, #tpu.memory_space<vmem>>
      tpu.enqueue_dma source(%dma_start3A_140 : memref<40x128xf32, #tpu.memory_space<vmem>>) target(%dma_start3A_137 : memref<40x128xf32, #tpu.memory_space<vmem_shared>>) target_semaphore(%run_scoped3A_130 : memref<!tpu.dma_semaphore, #tpu.memory_space<semaphore_mem>>)
      %dma_wait3A_141 = arith.constant 0 : i32
      %dma_wait3A_142 = arith.constant 0 : i32
      %dma_wait3A_143 = tpu.memref_slice %arg7[%dma_wait3A_141, %dma_wait3A_142] : memref<125x128xf32, #tpu.memory_space<vmem>> -> memref<40x128xf32, #tpu.memory_space<vmem>>
      %dma_wait3A_144 = arith.constant 0 : i32
      %dma_wait3A_145 = tpu.memref_slice %arg9[%add3A_21, %dma_wait3A_144] : memref<10240x128xf32, #tpu.memory_space<vmem_shared>> -> memref<40x128xf32, #tpu.memory_space<vmem_shared>>
      %dma_wait3A_146 = arith.constant 0 : i32
      %dma_wait3A_147 = tpu.memref_slice %arg9[%add3A_21, %dma_wait3A_146] : memref<10240x128xf32, #tpu.memory_space<vmem_shared>> -> memref<40x128xf32, #tpu.memory_space<vmem_shared>>
      %dma_wait3A_148 = arith.constant 0 : i32
      %dma_wait3A_149 = arith.constant 0 : i32
      %dma_wait3A_150 = tpu.memref_slice %arg7[%dma_wait3A_148, %dma_wait3A_149] : memref<125x128xf32, #tpu.memory_space<vmem>> -> memref<40x128xf32, #tpu.memory_space<vmem>>
      tpu.wait_dma2 semaphore(%run_scoped3A_130 : memref<!tpu.dma_semaphore, #tpu.memory_space<semaphore_mem>>) src(%dma_wait3A_150 : memref<40x128xf32, #tpu.memory_space<vmem>>) dst(%dma_wait3A_147 : memref<40x128xf32, #tpu.memory_space<vmem_shared>>)
      tpu.yield
    }) : () -> ()
    %mul3A_22 = arith.constant 640 : i32
    %mul3A_23 = arith.muli %arg1, %mul3A_22 : i32
    %add3A_24 = arith.constant 160 : i32
    %add3A_25 = arith.addi %mul3A_23, %add3A_24 : i32
    "tpu.region"() ({
      %run_scoped3A_130 = tpu.sem_alloc : memref<!tpu.dma_semaphore, #tpu.memory_space<semaphore_mem>>
      %dma_start3A_131 = arith.constant 0 : i32
      %dma_start3A_132 = arith.constant 0 : i32
      %dma_start3A_133 = tpu.memref_slice %arg7[%dma_start3A_131, %dma_start3A_132] : memref<125x128xf32, #tpu.memory_space<vmem>> -> memref<40x128xf32, #tpu.memory_space<vmem>>
      %dma_start3A_134 = arith.constant 0 : i32
      %dma_start3A_135 = tpu.memref_slice %arg9[%add3A_25, %dma_start3A_134] : memref<10240x128xf32, #tpu.memory_space<vmem_shared>> -> memref<40x128xf32, #tpu.memory_space<vmem_shared>>
      %dma_start3A_136 = arith.constant 0 : i32
      %dma_start3A_137 = tpu.memref_slice %arg9[%add3A_25, %dma_start3A_136] : memref<10240x128xf32, #tpu.memory_space<vmem_shared>> -> memref<40x128xf32, #tpu.memory_space<vmem_shared>>
      %dma_start3A_138 = arith.constant 0 : i32
      %dma_start3A_139 = arith.constant 0 : i32
      %dma_start3A_140 = tpu.memref_slice %arg7[%dma_start3A_138, %dma_start3A_139] : memref<125x128xf32, #tpu.memory_space<vmem>> -> memref<40x128xf32, #tpu.memory_space<vmem>>
      tpu.enqueue_dma source(%dma_start3A_140 : memref<40x128xf32, #tpu.memory_space<vmem>>) target(%dma_start3A_137 : memref<40x128xf32, #tpu.memory_space<vmem_shared>>) target_semaphore(%run_scoped3A_130 : memref<!tpu.dma_semaphore, #tpu.memory_space<semaphore_mem>>)
      %dma_wait3A_141 = arith.constant 0 : i32
      %dma_wait3A_142 = arith.constant 0 : i32
      %dma_wait3A_143 = tpu.memref_slice %arg7[%dma_wait3A_141, %dma_wait3A_142] : memref<125x128xf32, #tpu.memory_space<vmem>> -> memref<40x128xf32, #tpu.memory_space<vmem>>
      %dma_wait3A_144 = arith.constant 0 : i32
      %dma_wait3A_145 = tpu.memref_slice %arg9[%add3A_25, %dma_wait3A_144] : memref<10240x128xf32, #tpu.memory_space<vmem_shared>> -> memref<40x128xf32, #tpu.memory_space<vmem_shared>>
      %dma_wait3A_146 = arith.constant 0 : i32
      %dma_wait3A_147 = tpu.memref_slice %arg9[%add3A_25, %dma_wait3A_146] : memref<10240x128xf32, #tpu.memory_space<vmem_shared>> -> memref<40x128xf32, #tpu.memory_space<vmem_shared>>
      %dma_wait3A_148 = arith.constant 0 : i32
      %dma_wait3A_149 = arith.constant 0 : i32
      %dma_wait3A_150 = tpu.memref_slice %arg7[%dma_wait3A_148, %dma_wait3A_149] : memref<125x128xf32, #tpu.memory_space<vmem>> -> memref<40x128xf32, #tpu.memory_space<vmem>>
      tpu.wait_dma2 semaphore(%run_scoped3A_130 : memref<!tpu.dma_semaphore, #tpu.memory_space<semaphore_mem>>) src(%dma_wait3A_150 : memref<40x128xf32, #tpu.memory_space<vmem>>) dst(%dma_wait3A_147 : memref<40x128xf32, #tpu.memory_space<vmem_shared>>)
      tpu.yield
    }) : () -> ()
    %mul3A_26 = arith.constant 640 : i32
    %mul3A_27 = arith.muli %arg1, %mul3A_26 : i32
    %add3A_28 = arith.constant 200 : i32
    %add3A_29 = arith.addi %mul3A_27, %add3A_28 : i32
    "tpu.region"() ({
      %run_scoped3A_130 = tpu.sem_alloc : memref<!tpu.dma_semaphore, #tpu.memory_space<semaphore_mem>>
      %dma_start3A_131 = arith.constant 0 : i32
      %dma_start3A_132 = arith.constant 0 : i32
      %dma_start3A_133 = tpu.memref_slice %arg7[%dma_start3A_131, %dma_start3A_132] : memref<125x128xf32, #tpu.memory_space<vmem>> -> memref<40x128xf32, #tpu.memory_space<vmem>>
      %dma_start3A_134 = arith.constant 0 : i32
      %dma_start3A_135 = tpu.memref_slice %arg9[%add3A_29, %dma_start3A_134] : memref<10240x128xf32, #tpu.memory_space<vmem_shared>> -> memref<40x128xf32, #tpu.memory_space<vmem_shared>>
      %dma_start3A_136 = arith.constant 0 : i32
      %dma_start3A_137 = tpu.memref_slice %arg9[%add3A_29, %dma_start3A_136] : memref<10240x128xf32, #tpu.memory_space<vmem_shared>> -> memref<40x128xf32, #tpu.memory_space<vmem_shared>>
      %dma_start3A_138 = arith.constant 0 : i32
      %dma_start3A_139 = arith.constant 0 : i32
      %dma_start3A_140 = tpu.memref_slice %arg7[%dma_start3A_138, %dma_start3A_139] : memref<125x128xf32, #tpu.memory_space<vmem>> -> memref<40x128xf32, #tpu.memory_space<vmem>>
      tpu.enqueue_dma source(%dma_start3A_140 : memref<40x128xf32, #tpu.memory_space<vmem>>) target(%dma_start3A_137 : memref<40x128xf32, #tpu.memory_space<vmem_shared>>) target_semaphore(%run_scoped3A_130 : memref<!tpu.dma_semaphore, #tpu.memory_space<semaphore_mem>>)
      %dma_wait3A_141 = arith.constant 0 : i32
      %dma_wait3A_142 = arith.constant 0 : i32
      %dma_wait3A_143 = tpu.memref_slice %arg7[%dma_wait3A_141, %dma_wait3A_142] : memref<125x128xf32, #tpu.memory_space<vmem>> -> memref<40x128xf32, #tpu.memory_space<vmem>>
      %dma_wait3A_144 = arith.constant 0 : i32
      %dma_wait3A_145 = tpu.memref_slice %arg9[%add3A_29, %dma_wait3A_144] : memref<10240x128xf32, #tpu.memory_space<vmem_shared>> -> memref<40x128xf32, #tpu.memory_space<vmem_shared>>
      %dma_wait3A_146 = arith.constant 0 : i32
      %dma_wait3A_147 = tpu.memref_slice %arg9[%add3A_29, %dma_wait3A_146] : memref<10240x128xf32, #tpu.memory_space<vmem_shared>> -> memref<40x128xf32, #tpu.memory_space<vmem_shared>>
      %dma_wait3A_148 = arith.constant 0 : i32
      %dma_wait3A_149 = arith.constant 0 : i32
      %dma_wait3A_150 = tpu.memref_slice %arg7[%dma_wait3A_148, %dma_wait3A_149] : memref<125x128xf32, #tpu.memory_space<vmem>> -> memref<40x128xf32, #tpu.memory_space<vmem>>
      tpu.wait_dma2 semaphore(%run_scoped3A_130 : memref<!tpu.dma_semaphore, #tpu.memory_space<semaphore_mem>>) src(%dma_wait3A_150 : memref<40x128xf32, #tpu.memory_space<vmem>>) dst(%dma_wait3A_147 : memref<40x128xf32, #tpu.memory_space<vmem_shared>>)
      tpu.yield
    }) : () -> ()
    %mul3A_30 = arith.constant 640 : i32
    %mul3A_31 = arith.muli %arg1, %mul3A_30 : i32
    %add3A_32 = arith.constant 240 : i32
    %add3A_33 = arith.addi %mul3A_31, %add3A_32 : i32
    "tpu.region"() ({
      %run_scoped3A_130 = tpu.sem_alloc : memref<!tpu.dma_semaphore, #tpu.memory_space<semaphore_mem>>
      %dma_start3A_131 = arith.constant 0 : i32
      %dma_start3A_132 = arith.constant 0 : i32
      %dma_start3A_133 = tpu.memref_slice %arg7[%dma_start3A_131, %dma_start3A_132] : memref<125x128xf32, #tpu.memory_space<vmem>> -> memref<40x128xf32, #tpu.memory_space<vmem>>
      %dma_start3A_134 = arith.constant 0 : i32
      %dma_start3A_135 = tpu.memref_slice %arg9[%add3A_33, %dma_start3A_134] : memref<10240x128xf32, #tpu.memory_space<vmem_shared>> -> memref<40x128xf32, #tpu.memory_space<vmem_shared>>
      %dma_start3A_136 = arith.constant 0 : i32
      %dma_start3A_137 = tpu.memref_slice %arg9[%add3A_33, %dma_start3A_136] : memref<10240x128xf32, #tpu.memory_space<vmem_shared>> -> memref<40x128xf32, #tpu.memory_space<vmem_shared>>
      %dma_start3A_138 = arith.constant 0 : i32
      %dma_start3A_139 = arith.constant 0 : i32
      %dma_start3A_140 = tpu.memref_slice %arg7[%dma_start3A_138, %dma_start3A_139] : memref<125x128xf32, #tpu.memory_space<vmem>> -> memref<40x128xf32, #tpu.memory_space<vmem>>
      tpu.enqueue_dma source(%dma_start3A_140 : memref<40x128xf32, #tpu.memory_space<vmem>>) target(%dma_start3A_137 : memref<40x128xf32, #tpu.memory_space<vmem_shared>>) target_semaphore(%run_scoped3A_130 : memref<!tpu.dma_semaphore, #tpu.memory_space<semaphore_mem>>)
      %dma_wait3A_141 = arith.constant 0 : i32
      %dma_wait3A_142 = arith.constant 0 : i32
      %dma_wait3A_143 = tpu.memref_slice %arg7[%dma_wait3A_141, %dma_wait3A_142] : memref<125x128xf32, #tpu.memory_space<vmem>> -> memref<40x128xf32, #tpu.memory_space<vmem>>
      %dma_wait3A_144 = arith.constant 0 : i32
      %dma_wait3A_145 = tpu.memref_slice %arg9[%add3A_33, %dma_wait3A_144] : memref<10240x128xf32, #tpu.memory_space<vmem_shared>> -> memref<40x128xf32, #tpu.memory_space<vmem_shared>>
      %dma_wait3A_146 = arith.constant 0 : i32
      %dma_wait3A_147 = tpu.memref_slice %arg9[%add3A_33, %dma_wait3A_146] : memref<10240x128xf32, #tpu.memory_space<vmem_shared>> -> memref<40x128xf32, #tpu.memory_space<vmem_shared>>
      %dma_wait3A_148 = arith.constant 0 : i32
      %dma_wait3A_149 = arith.constant 0 : i32
      %dma_wait3A_150 = tpu.memref_slice %arg7[%dma_wait3A_148, %dma_wait3A_149] : memref<125x128xf32, #tpu.memory_space<vmem>> -> memref<40x128xf32, #tpu.memory_space<vmem>>
      tpu.wait_dma2 semaphore(%run_scoped3A_130 : memref<!tpu.dma_semaphore, #tpu.memory_space<semaphore_mem>>) src(%dma_wait3A_150 : memref<40x128xf32, #tpu.memory_space<vmem>>) dst(%dma_wait3A_147 : memref<40x128xf32, #tpu.memory_space<vmem_shared>>)
      tpu.yield
    }) : () -> ()
    %mul3A_34 = arith.constant 640 : i32
    %mul3A_35 = arith.muli %arg1, %mul3A_34 : i32
    %add3A_36 = arith.constant 280 : i32
    %add3A_37 = arith.addi %mul3A_35, %add3A_36 : i32
    "tpu.region"() ({
      %run_scoped3A_130 = tpu.sem_alloc : memref<!tpu.dma_semaphore, #tpu.memory_space<semaphore_mem>>
      %dma_start3A_131 = arith.constant 0 : i32
      %dma_start3A_132 = arith.constant 0 : i32
      %dma_start3A_133 = tpu.memref_slice %arg7[%dma_start3A_131, %dma_start3A_132] : memref<125x128xf32, #tpu.memory_space<vmem>> -> memref<40x128xf32, #tpu.memory_space<vmem>>
      %dma_start3A_134 = arith.constant 0 : i32
      %dma_start3A_135 = tpu.memref_slice %arg9[%add3A_37, %dma_start3A_134] : memref<10240x128xf32, #tpu.memory_space<vmem_shared>> -> memref<40x128xf32, #tpu.memory_space<vmem_shared>>
      %dma_start3A_136 = arith.constant 0 : i32
      %dma_start3A_137 = tpu.memref_slice %arg9[%add3A_37, %dma_start3A_136] : memref<10240x128xf32, #tpu.memory_space<vmem_shared>> -> memref<40x128xf32, #tpu.memory_space<vmem_shared>>
      %dma_start3A_138 = arith.constant 0 : i32
      %dma_start3A_139 = arith.constant 0 : i32
      %dma_start3A_140 = tpu.memref_slice %arg7[%dma_start3A_138, %dma_start3A_139] : memref<125x128xf32, #tpu.memory_space<vmem>> -> memref<40x128xf32, #tpu.memory_space<vmem>>
      tpu.enqueue_dma source(%dma_start3A_140 : memref<40x128xf32, #tpu.memory_space<vmem>>) target(%dma_start3A_137 : memref<40x128xf32, #tpu.memory_space<vmem_shared>>) target_semaphore(%run_scoped3A_130 : memref<!tpu.dma_semaphore, #tpu.memory_space<semaphore_mem>>)
      %dma_wait3A_141 = arith.constant 0 : i32
      %dma_wait3A_142 = arith.constant 0 : i32
      %dma_wait3A_143 = tpu.memref_slice %arg7[%dma_wait3A_141, %dma_wait3A_142] : memref<125x128xf32, #tpu.memory_space<vmem>> -> memref<40x128xf32, #tpu.memory_space<vmem>>
      %dma_wait3A_144 = arith.constant 0 : i32
      %dma_wait3A_145 = tpu.memref_slice %arg9[%add3A_37, %dma_wait3A_144] : memref<10240x128xf32, #tpu.memory_space<vmem_shared>> -> memref<40x128xf32, #tpu.memory_space<vmem_shared>>
      %dma_wait3A_146 = arith.constant 0 : i32
      %dma_wait3A_147 = tpu.memref_slice %arg9[%add3A_37, %dma_wait3A_146] : memref<10240x128xf32, #tpu.memory_space<vmem_shared>> -> memref<40x128xf32, #tpu.memory_space<vmem_shared>>
      %dma_wait3A_148 = arith.constant 0 : i32
      %dma_wait3A_149 = arith.constant 0 : i32
      %dma_wait3A_150 = tpu.memref_slice %arg7[%dma_wait3A_148, %dma_wait3A_149] : memref<125x128xf32, #tpu.memory_space<vmem>> -> memref<40x128xf32, #tpu.memory_space<vmem>>
      tpu.wait_dma2 semaphore(%run_scoped3A_130 : memref<!tpu.dma_semaphore, #tpu.memory_space<semaphore_mem>>) src(%dma_wait3A_150 : memref<40x128xf32, #tpu.memory_space<vmem>>) dst(%dma_wait3A_147 : memref<40x128xf32, #tpu.memory_space<vmem_shared>>)
      tpu.yield
    }) : () -> ()
    %mul3A_38 = arith.constant 640 : i32
    %mul3A_39 = arith.muli %arg1, %mul3A_38 : i32
    %add3A_40 = arith.constant 320 : i32
    %add3A_41 = arith.addi %mul3A_39, %add3A_40 : i32
    "tpu.region"() ({
      %run_scoped3A_130 = tpu.sem_alloc : memref<!tpu.dma_semaphore, #tpu.memory_space<semaphore_mem>>
      %dma_start3A_131 = arith.constant 0 : i32
      %dma_start3A_132 = arith.constant 0 : i32
      %dma_start3A_133 = tpu.memref_slice %arg7[%dma_start3A_131, %dma_start3A_132] : memref<125x128xf32, #tpu.memory_space<vmem>> -> memref<40x128xf32, #tpu.memory_space<vmem>>
      %dma_start3A_134 = arith.constant 0 : i32
      %dma_start3A_135 = tpu.memref_slice %arg9[%add3A_41, %dma_start3A_134] : memref<10240x128xf32, #tpu.memory_space<vmem_shared>> -> memref<40x128xf32, #tpu.memory_space<vmem_shared>>
      %dma_start3A_136 = arith.constant 0 : i32
      %dma_start3A_137 = tpu.memref_slice %arg9[%add3A_41, %dma_start3A_136] : memref<10240x128xf32, #tpu.memory_space<vmem_shared>> -> memref<40x128xf32, #tpu.memory_space<vmem_shared>>
      %dma_start3A_138 = arith.constant 0 : i32
      %dma_start3A_139 = arith.constant 0 : i32
      %dma_start3A_140 = tpu.memref_slice %arg7[%dma_start3A_138, %dma_start3A_139] : memref<125x128xf32, #tpu.memory_space<vmem>> -> memref<40x128xf32, #tpu.memory_space<vmem>>
      tpu.enqueue_dma source(%dma_start3A_140 : memref<40x128xf32, #tpu.memory_space<vmem>>) target(%dma_start3A_137 : memref<40x128xf32, #tpu.memory_space<vmem_shared>>) target_semaphore(%run_scoped3A_130 : memref<!tpu.dma_semaphore, #tpu.memory_space<semaphore_mem>>)
      %dma_wait3A_141 = arith.constant 0 : i32
      %dma_wait3A_142 = arith.constant 0 : i32
      %dma_wait3A_143 = tpu.memref_slice %arg7[%dma_wait3A_141, %dma_wait3A_142] : memref<125x128xf32, #tpu.memory_space<vmem>> -> memref<40x128xf32, #tpu.memory_space<vmem>>
      %dma_wait3A_144 = arith.constant 0 : i32
      %dma_wait3A_145 = tpu.memref_slice %arg9[%add3A_41, %dma_wait3A_144] : memref<10240x128xf32, #tpu.memory_space<vmem_shared>> -> memref<40x128xf32, #tpu.memory_space<vmem_shared>>
      %dma_wait3A_146 = arith.constant 0 : i32
      %dma_wait3A_147 = tpu.memref_slice %arg9[%add3A_41, %dma_wait3A_146] : memref<10240x128xf32, #tpu.memory_space<vmem_shared>> -> memref<40x128xf32, #tpu.memory_space<vmem_shared>>
      %dma_wait3A_148 = arith.constant 0 : i32
      %dma_wait3A_149 = arith.constant 0 : i32
      %dma_wait3A_150 = tpu.memref_slice %arg7[%dma_wait3A_148, %dma_wait3A_149] : memref<125x128xf32, #tpu.memory_space<vmem>> -> memref<40x128xf32, #tpu.memory_space<vmem>>
      tpu.wait_dma2 semaphore(%run_scoped3A_130 : memref<!tpu.dma_semaphore, #tpu.memory_space<semaphore_mem>>) src(%dma_wait3A_150 : memref<40x128xf32, #tpu.memory_space<vmem>>) dst(%dma_wait3A_147 : memref<40x128xf32, #tpu.memory_space<vmem_shared>>)
      tpu.yield
    }) : () -> ()
    %mul3A_42 = arith.constant 640 : i32
    %mul3A_43 = arith.muli %arg1, %mul3A_42 : i32
    %add3A_44 = arith.constant 360 : i32
    %add3A_45 = arith.addi %mul3A_43, %add3A_44 : i32
    "tpu.region"() ({
      %run_scoped3A_130 = tpu.sem_alloc : memref<!tpu.dma_semaphore, #tpu.memory_space<semaphore_mem>>
      %dma_start3A_131 = arith.constant 0 : i32
      %dma_start3A_132 = arith.constant 0 : i32
      %dma_start3A_133 = tpu.memref_slice %arg7[%dma_start3A_131, %dma_start3A_132] : memref<125x128xf32, #tpu.memory_space<vmem>> -> memref<40x128xf32, #tpu.memory_space<vmem>>
      %dma_start3A_134 = arith.constant 0 : i32
      %dma_start3A_135 = tpu.memref_slice %arg9[%add3A_45, %dma_start3A_134] : memref<10240x128xf32, #tpu.memory_space<vmem_shared>> -> memref<40x128xf32, #tpu.memory_space<vmem_shared>>
      %dma_start3A_136 = arith.constant 0 : i32
      %dma_start3A_137 = tpu.memref_slice %arg9[%add3A_45, %dma_start3A_136] : memref<10240x128xf32, #tpu.memory_space<vmem_shared>> -> memref<40x128xf32, #tpu.memory_space<vmem_shared>>
      %dma_start3A_138 = arith.constant 0 : i32
      %dma_start3A_139 = arith.constant 0 : i32
      %dma_start3A_140 = tpu.memref_slice %arg7[%dma_start3A_138, %dma_start3A_139] : memref<125x128xf32, #tpu.memory_space<vmem>> -> memref<40x128xf32, #tpu.memory_space<vmem>>
      tpu.enqueue_dma source(%dma_start3A_140 : memref<40x128xf32, #tpu.memory_space<vmem>>) target(%dma_start3A_137 : memref<40x128xf32, #tpu.memory_space<vmem_shared>>) target_semaphore(%run_scoped3A_130 : memref<!tpu.dma_semaphore, #tpu.memory_space<semaphore_mem>>)
      %dma_wait3A_141 = arith.constant 0 : i32
      %dma_wait3A_142 = arith.constant 0 : i32
      %dma_wait3A_143 = tpu.memref_slice %arg7[%dma_wait3A_141, %dma_wait3A_142] : memref<125x128xf32, #tpu.memory_space<vmem>> -> memref<40x128xf32, #tpu.memory_space<vmem>>
      %dma_wait3A_144 = arith.constant 0 : i32
      %dma_wait3A_145 = tpu.memref_slice %arg9[%add3A_45, %dma_wait3A_144] : memref<10240x128xf32, #tpu.memory_space<vmem_shared>> -> memref<40x128xf32, #tpu.memory_space<vmem_shared>>
      %dma_wait3A_146 = arith.constant 0 : i32
      %dma_wait3A_147 = tpu.memref_slice %arg9[%add3A_45, %dma_wait3A_146] : memref<10240x128xf32, #tpu.memory_space<vmem_shared>> -> memref<40x128xf32, #tpu.memory_space<vmem_shared>>
      %dma_wait3A_148 = arith.constant 0 : i32
      %dma_wait3A_149 = arith.constant 0 : i32
      %dma_wait3A_150 = tpu.memref_slice %arg7[%dma_wait3A_148, %dma_wait3A_149] : memref<125x128xf32, #tpu.memory_space<vmem>> -> memref<40x128xf32, #tpu.memory_space<vmem>>
      tpu.wait_dma2 semaphore(%run_scoped3A_130 : memref<!tpu.dma_semaphore, #tpu.memory_space<semaphore_mem>>) src(%dma_wait3A_150 : memref<40x128xf32, #tpu.memory_space<vmem>>) dst(%dma_wait3A_147 : memref<40x128xf32, #tpu.memory_space<vmem_shared>>)
      tpu.yield
    }) : () -> ()
    %mul3A_46 = arith.constant 640 : i32
    %mul3A_47 = arith.muli %arg1, %mul3A_46 : i32
    %add3A_48 = arith.constant 400 : i32
    %add3A_49 = arith.addi %mul3A_47, %add3A_48 : i32
    "tpu.region"() ({
      %run_scoped3A_130 = tpu.sem_alloc : memref<!tpu.dma_semaphore, #tpu.memory_space<semaphore_mem>>
      %dma_start3A_131 = arith.constant 0 : i32
      %dma_start3A_132 = arith.constant 0 : i32
      %dma_start3A_133 = tpu.memref_slice %arg7[%dma_start3A_131, %dma_start3A_132] : memref<125x128xf32, #tpu.memory_space<vmem>> -> memref<40x128xf32, #tpu.memory_space<vmem>>
      %dma_start3A_134 = arith.constant 0 : i32
      %dma_start3A_135 = tpu.memref_slice %arg9[%add3A_49, %dma_start3A_134] : memref<10240x128xf32, #tpu.memory_space<vmem_shared>> -> memref<40x128xf32, #tpu.memory_space<vmem_shared>>
      %dma_start3A_136 = arith.constant 0 : i32
      %dma_start3A_137 = tpu.memref_slice %arg9[%add3A_49, %dma_start3A_136] : memref<10240x128xf32, #tpu.memory_space<vmem_shared>> -> memref<40x128xf32, #tpu.memory_space<vmem_shared>>
      %dma_start3A_138 = arith.constant 0 : i32
      %dma_start3A_139 = arith.constant 0 : i32
      %dma_start3A_140 = tpu.memref_slice %arg7[%dma_start3A_138, %dma_start3A_139] : memref<125x128xf32, #tpu.memory_space<vmem>> -> memref<40x128xf32, #tpu.memory_space<vmem>>
      tpu.enqueue_dma source(%dma_start3A_140 : memref<40x128xf32, #tpu.memory_space<vmem>>) target(%dma_start3A_137 : memref<40x128xf32, #tpu.memory_space<vmem_shared>>) target_semaphore(%run_scoped3A_130 : memref<!tpu.dma_semaphore, #tpu.memory_space<semaphore_mem>>)
      %dma_wait3A_141 = arith.constant 0 : i32
      %dma_wait3A_142 = arith.constant 0 : i32
      %dma_wait3A_143 = tpu.memref_slice %arg7[%dma_wait3A_141, %dma_wait3A_142] : memref<125x128xf32, #tpu.memory_space<vmem>> -> memref<40x128xf32, #tpu.memory_space<vmem>>
      %dma_wait3A_144 = arith.constant 0 : i32
      %dma_wait3A_145 = tpu.memref_slice %arg9[%add3A_49, %dma_wait3A_144] : memref<10240x128xf32, #tpu.memory_space<vmem_shared>> -> memref<40x128xf32, #tpu.memory_space<vmem_shared>>
      %dma_wait3A_146 = arith.constant 0 : i32
      %dma_wait3A_147 = tpu.memref_slice %arg9[%add3A_49, %dma_wait3A_146] : memref<10240x128xf32, #tpu.memory_space<vmem_shared>> -> memref<40x128xf32, #tpu.memory_space<vmem_shared>>
      %dma_wait3A_148 = arith.constant 0 : i32
      %dma_wait3A_149 = arith.constant 0 : i32
      %dma_wait3A_150 = tpu.memref_slice %arg7[%dma_wait3A_148, %dma_wait3A_149] : memref<125x128xf32, #tpu.memory_space<vmem>> -> memref<40x128xf32, #tpu.memory_space<vmem>>
      tpu.wait_dma2 semaphore(%run_scoped3A_130 : memref<!tpu.dma_semaphore, #tpu.memory_space<semaphore_mem>>) src(%dma_wait3A_150 : memref<40x128xf32, #tpu.memory_space<vmem>>) dst(%dma_wait3A_147 : memref<40x128xf32, #tpu.memory_space<vmem_shared>>)
      tpu.yield
    }) : () -> ()
    %mul3A_50 = arith.constant 640 : i32
    %mul3A_51 = arith.muli %arg1, %mul3A_50 : i32
    %add3A_52 = arith.constant 440 : i32
    %add3A_53 = arith.addi %mul3A_51, %add3A_52 : i32
    "tpu.region"() ({
      %run_scoped3A_130 = tpu.sem_alloc : memref<!tpu.dma_semaphore, #tpu.memory_space<semaphore_mem>>
      %dma_start3A_131 = arith.constant 0 : i32
      %dma_start3A_132 = arith.constant 0 : i32
      %dma_start3A_133 = tpu.memref_slice %arg7[%dma_start3A_131, %dma_start3A_132] : memref<125x128xf32, #tpu.memory_space<vmem>> -> memref<40x128xf32, #tpu.memory_space<vmem>>
      %dma_start3A_134 = arith.constant 0 : i32
      %dma_start3A_135 = tpu.memref_slice %arg9[%add3A_53, %dma_start3A_134] : memref<10240x128xf32, #tpu.memory_space<vmem_shared>> -> memref<40x128xf32, #tpu.memory_space<vmem_shared>>
      %dma_start3A_136 = arith.constant 0 : i32
      %dma_start3A_137 = tpu.memref_slice %arg9[%add3A_53, %dma_start3A_136] : memref<10240x128xf32, #tpu.memory_space<vmem_shared>> -> memref<40x128xf32, #tpu.memory_space<vmem_shared>>
      %dma_start3A_138 = arith.constant 0 : i32
      %dma_start3A_139 = arith.constant 0 : i32
      %dma_start3A_140 = tpu.memref_slice %arg7[%dma_start3A_138, %dma_start3A_139] : memref<125x128xf32, #tpu.memory_space<vmem>> -> memref<40x128xf32, #tpu.memory_space<vmem>>
      tpu.enqueue_dma source(%dma_start3A_140 : memref<40x128xf32, #tpu.memory_space<vmem>>) target(%dma_start3A_137 : memref<40x128xf32, #tpu.memory_space<vmem_shared>>) target_semaphore(%run_scoped3A_130 : memref<!tpu.dma_semaphore, #tpu.memory_space<semaphore_mem>>)
      %dma_wait3A_141 = arith.constant 0 : i32
      %dma_wait3A_142 = arith.constant 0 : i32
      %dma_wait3A_143 = tpu.memref_slice %arg7[%dma_wait3A_141, %dma_wait3A_142] : memref<125x128xf32, #tpu.memory_space<vmem>> -> memref<40x128xf32, #tpu.memory_space<vmem>>
      %dma_wait3A_144 = arith.constant 0 : i32
      %dma_wait3A_145 = tpu.memref_slice %arg9[%add3A_53, %dma_wait3A_144] : memref<10240x128xf32, #tpu.memory_space<vmem_shared>> -> memref<40x128xf32, #tpu.memory_space<vmem_shared>>
      %dma_wait3A_146 = arith.constant 0 : i32
      %dma_wait3A_147 = tpu.memref_slice %arg9[%add3A_53, %dma_wait3A_146] : memref<10240x128xf32, #tpu.memory_space<vmem_shared>> -> memref<40x128xf32, #tpu.memory_space<vmem_shared>>
      %dma_wait3A_148 = arith.constant 0 : i32
      %dma_wait3A_149 = arith.constant 0 : i32
      %dma_wait3A_150 = tpu.memref_slice %arg7[%dma_wait3A_148, %dma_wait3A_149] : memref<125x128xf32, #tpu.memory_space<vmem>> -> memref<40x128xf32, #tpu.memory_space<vmem>>
      tpu.wait_dma2 semaphore(%run_scoped3A_130 : memref<!tpu.dma_semaphore, #tpu.memory_space<semaphore_mem>>) src(%dma_wait3A_150 : memref<40x128xf32, #tpu.memory_space<vmem>>) dst(%dma_wait3A_147 : memref<40x128xf32, #tpu.memory_space<vmem_shared>>)
      tpu.yield
    }) : () -> ()
    %mul3A_54 = arith.constant 640 : i32
    %mul3A_55 = arith.muli %arg1, %mul3A_54 : i32
    %add3A_56 = arith.constant 480 : i32
    %add3A_57 = arith.addi %mul3A_55, %add3A_56 : i32
    "tpu.region"() ({
      %run_scoped3A_130 = tpu.sem_alloc : memref<!tpu.dma_semaphore, #tpu.memory_space<semaphore_mem>>
      %dma_start3A_131 = arith.constant 0 : i32
      %dma_start3A_132 = arith.constant 0 : i32
      %dma_start3A_133 = tpu.memref_slice %arg7[%dma_start3A_131, %dma_start3A_132] : memref<125x128xf32, #tpu.memory_space<vmem>> -> memref<40x128xf32, #tpu.memory_space<vmem>>
      %dma_start3A_134 = arith.constant 0 : i32
      %dma_start3A_135 = tpu.memref_slice %arg9[%add3A_57, %dma_start3A_134] : memref<10240x128xf32, #tpu.memory_space<vmem_shared>> -> memref<40x128xf32, #tpu.memory_space<vmem_shared>>
      %dma_start3A_136 = arith.constant 0 : i32
      %dma_start3A_137 = tpu.memref_slice %arg9[%add3A_57, %dma_start3A_136] : memref<10240x128xf32, #tpu.memory_space<vmem_shared>> -> memref<40x128xf32, #tpu.memory_space<vmem_shared>>
      %dma_start3A_138 = arith.constant 0 : i32
      %dma_start3A_139 = arith.constant 0 : i32
      %dma_start3A_140 = tpu.memref_slice %arg7[%dma_start3A_138, %dma_start3A_139] : memref<125x128xf32, #tpu.memory_space<vmem>> -> memref<40x128xf32, #tpu.memory_space<vmem>>
      tpu.enqueue_dma source(%dma_start3A_140 : memref<40x128xf32, #tpu.memory_space<vmem>>) target(%dma_start3A_137 : memref<40x128xf32, #tpu.memory_space<vmem_shared>>) target_semaphore(%run_scoped3A_130 : memref<!tpu.dma_semaphore, #tpu.memory_space<semaphore_mem>>)
      %dma_wait3A_141 = arith.constant 0 : i32
      %dma_wait3A_142 = arith.constant 0 : i32
      %dma_wait3A_143 = tpu.memref_slice %arg7[%dma_wait3A_141, %dma_wait3A_142] : memref<125x128xf32, #tpu.memory_space<vmem>> -> memref<40x128xf32, #tpu.memory_space<vmem>>
      %dma_wait3A_144 = arith.constant 0 : i32
      %dma_wait3A_145 = tpu.memref_slice %arg9[%add3A_57, %dma_wait3A_144] : memref<10240x128xf32, #tpu.memory_space<vmem_shared>> -> memref<40x128xf32, #tpu.memory_space<vmem_shared>>
      %dma_wait3A_146 = arith.constant 0 : i32
      %dma_wait3A_147 = tpu.memref_slice %arg9[%add3A_57, %dma_wait3A_146] : memref<10240x128xf32, #tpu.memory_space<vmem_shared>> -> memref<40x128xf32, #tpu.memory_space<vmem_shared>>
      %dma_wait3A_148 = arith.constant 0 : i32
      %dma_wait3A_149 = arith.constant 0 : i32
      %dma_wait3A_150 = tpu.memref_slice %arg7[%dma_wait3A_148, %dma_wait3A_149] : memref<125x128xf32, #tpu.memory_space<vmem>> -> memref<40x128xf32, #tpu.memory_space<vmem>>
      tpu.wait_dma2 semaphore(%run_scoped3A_130 : memref<!tpu.dma_semaphore, #tpu.memory_space<semaphore_mem>>) src(%dma_wait3A_150 : memref<40x128xf32, #tpu.memory_space<vmem>>) dst(%dma_wait3A_147 : memref<40x128xf32, #tpu.memory_space<vmem_shared>>)
      tpu.yield
    }) : () -> ()
    %mul3A_58 = arith.constant 640 : i32
    %mul3A_59 = arith.muli %arg1, %mul3A_58 : i32
    %add3A_60 = arith.constant 520 : i32
    %add3A_61 = arith.addi %mul3A_59, %add3A_60 : i32
    "tpu.region"() ({
      %run_scoped3A_130 = tpu.sem_alloc : memref<!tpu.dma_semaphore, #tpu.memory_space<semaphore_mem>>
      %dma_start3A_131 = arith.constant 0 : i32
      %dma_start3A_132 = arith.constant 0 : i32
      %dma_start3A_133 = tpu.memref_slice %arg7[%dma_start3A_131, %dma_start3A_132] : memref<125x128xf32, #tpu.memory_space<vmem>> -> memref<40x128xf32, #tpu.memory_space<vmem>>
      %dma_start3A_134 = arith.constant 0 : i32
      %dma_start3A_135 = tpu.memref_slice %arg9[%add3A_61, %dma_start3A_134] : memref<10240x128xf32, #tpu.memory_space<vmem_shared>> -> memref<40x128xf32, #tpu.memory_space<vmem_shared>>
      %dma_start3A_136 = arith.constant 0 : i32
      %dma_start3A_137 = tpu.memref_slice %arg9[%add3A_61, %dma_start3A_136] : memref<10240x128xf32, #tpu.memory_space<vmem_shared>> -> memref<40x128xf32, #tpu.memory_space<vmem_shared>>
      %dma_start3A_138 = arith.constant 0 : i32
      %dma_start3A_139 = arith.constant 0 : i32
      %dma_start3A_140 = tpu.memref_slice %arg7[%dma_start3A_138, %dma_start3A_139] : memref<125x128xf32, #tpu.memory_space<vmem>> -> memref<40x128xf32, #tpu.memory_space<vmem>>
      tpu.enqueue_dma source(%dma_start3A_140 : memref<40x128xf32, #tpu.memory_space<vmem>>) target(%dma_start3A_137 : memref<40x128xf32, #tpu.memory_space<vmem_shared>>) target_semaphore(%run_scoped3A_130 : memref<!tpu.dma_semaphore, #tpu.memory_space<semaphore_mem>>)
      %dma_wait3A_141 = arith.constant 0 : i32
      %dma_wait3A_142 = arith.constant 0 : i32
      %dma_wait3A_143 = tpu.memref_slice %arg7[%dma_wait3A_141, %dma_wait3A_142] : memref<125x128xf32, #tpu.memory_space<vmem>> -> memref<40x128xf32, #tpu.memory_space<vmem>>
      %dma_wait3A_144 = arith.constant 0 : i32
      %dma_wait3A_145 = tpu.memref_slice %arg9[%add3A_61, %dma_wait3A_144] : memref<10240x128xf32, #tpu.memory_space<vmem_shared>> -> memref<40x128xf32, #tpu.memory_space<vmem_shared>>
      %dma_wait3A_146 = arith.constant 0 : i32
      %dma_wait3A_147 = tpu.memref_slice %arg9[%add3A_61, %dma_wait3A_146] : memref<10240x128xf32, #tpu.memory_space<vmem_shared>> -> memref<40x128xf32, #tpu.memory_space<vmem_shared>>
      %dma_wait3A_148 = arith.constant 0 : i32
      %dma_wait3A_149 = arith.constant 0 : i32
      %dma_wait3A_150 = tpu.memref_slice %arg7[%dma_wait3A_148, %dma_wait3A_149] : memref<125x128xf32, #tpu.memory_space<vmem>> -> memref<40x128xf32, #tpu.memory_space<vmem>>
      tpu.wait_dma2 semaphore(%run_scoped3A_130 : memref<!tpu.dma_semaphore, #tpu.memory_space<semaphore_mem>>) src(%dma_wait3A_150 : memref<40x128xf32, #tpu.memory_space<vmem>>) dst(%dma_wait3A_147 : memref<40x128xf32, #tpu.memory_space<vmem_shared>>)
      tpu.yield
    }) : () -> ()
    %mul3A_62 = arith.constant 640 : i32
    %mul3A_63 = arith.muli %arg1, %mul3A_62 : i32
    %add3A_64 = arith.constant 560 : i32
    %add3A_65 = arith.addi %mul3A_63, %add3A_64 : i32
    "tpu.region"() ({
      %run_scoped3A_130 = tpu.sem_alloc : memref<!tpu.dma_semaphore, #tpu.memory_space<semaphore_mem>>
      %dma_start3A_131 = arith.constant 0 : i32
      %dma_start3A_132 = arith.constant 0 : i32
      %dma_start3A_133 = tpu.memref_slice %arg7[%dma_start3A_131, %dma_start3A_132] : memref<125x128xf32, #tpu.memory_space<vmem>> -> memref<40x128xf32, #tpu.memory_space<vmem>>
      %dma_start3A_134 = arith.constant 0 : i32
      %dma_start3A_135 = tpu.memref_slice %arg9[%add3A_65, %dma_start3A_134] : memref<10240x128xf32, #tpu.memory_space<vmem_shared>> -> memref<40x128xf32, #tpu.memory_space<vmem_shared>>
      %dma_start3A_136 = arith.constant 0 : i32
      %dma_start3A_137 = tpu.memref_slice %arg9[%add3A_65, %dma_start3A_136] : memref<10240x128xf32, #tpu.memory_space<vmem_shared>> -> memref<40x128xf32, #tpu.memory_space<vmem_shared>>
      %dma_start3A_138 = arith.constant 0 : i32
      %dma_start3A_139 = arith.constant 0 : i32
      %dma_start3A_140 = tpu.memref_slice %arg7[%dma_start3A_138, %dma_start3A_139] : memref<125x128xf32, #tpu.memory_space<vmem>> -> memref<40x128xf32, #tpu.memory_space<vmem>>
      tpu.enqueue_dma source(%dma_start3A_140 : memref<40x128xf32, #tpu.memory_space<vmem>>) target(%dma_start3A_137 : memref<40x128xf32, #tpu.memory_space<vmem_shared>>) target_semaphore(%run_scoped3A_130 : memref<!tpu.dma_semaphore, #tpu.memory_space<semaphore_mem>>)
      %dma_wait3A_141 = arith.constant 0 : i32
      %dma_wait3A_142 = arith.constant 0 : i32
      %dma_wait3A_143 = tpu.memref_slice %arg7[%dma_wait3A_141, %dma_wait3A_142] : memref<125x128xf32, #tpu.memory_space<vmem>> -> memref<40x128xf32, #tpu.memory_space<vmem>>
      %dma_wait3A_144 = arith.constant 0 : i32
      %dma_wait3A_145 = tpu.memref_slice %arg9[%add3A_65, %dma_wait3A_144] : memref<10240x128xf32, #tpu.memory_space<vmem_shared>> -> memref<40x128xf32, #tpu.memory_space<vmem_shared>>
      %dma_wait3A_146 = arith.constant 0 : i32
      %dma_wait3A_147 = tpu.memref_slice %arg9[%add3A_65, %dma_wait3A_146] : memref<10240x128xf32, #tpu.memory_space<vmem_shared>> -> memref<40x128xf32, #tpu.memory_space<vmem_shared>>
      %dma_wait3A_148 = arith.constant 0 : i32
      %dma_wait3A_149 = arith.constant 0 : i32
      %dma_wait3A_150 = tpu.memref_slice %arg7[%dma_wait3A_148, %dma_wait3A_149] : memref<125x128xf32, #tpu.memory_space<vmem>> -> memref<40x128xf32, #tpu.memory_space<vmem>>
      tpu.wait_dma2 semaphore(%run_scoped3A_130 : memref<!tpu.dma_semaphore, #tpu.memory_space<semaphore_mem>>) src(%dma_wait3A_150 : memref<40x128xf32, #tpu.memory_space<vmem>>) dst(%dma_wait3A_147 : memref<40x128xf32, #tpu.memory_space<vmem_shared>>)
      tpu.yield
    }) : () -> ()
    %mul3A_66 = arith.constant 640 : i32
    %mul3A_67 = arith.muli %arg1, %mul3A_66 : i32
    %add3A_68 = arith.constant 600 : i32
    %add3A_69 = arith.addi %mul3A_67, %add3A_68 : i32
    "tpu.region"() ({
      %run_scoped3A_130 = tpu.sem_alloc : memref<!tpu.dma_semaphore, #tpu.memory_space<semaphore_mem>>
      %dma_start3A_131 = arith.constant 0 : i32
      %dma_start3A_132 = arith.constant 0 : i32
      %dma_start3A_133 = tpu.memref_slice %arg7[%dma_start3A_131, %dma_start3A_132] : memref<125x128xf32, #tpu.memory_space<vmem>> -> memref<40x128xf32, #tpu.memory_space<vmem>>
      %dma_start3A_134 = arith.constant 0 : i32
      %dma_start3A_135 = tpu.memref_slice %arg9[%add3A_69, %dma_start3A_134] : memref<10240x128xf32, #tpu.memory_space<vmem_shared>> -> memref<40x128xf32, #tpu.memory_space<vmem_shared>>
      %dma_start3A_136 = arith.constant 0 : i32
      %dma_start3A_137 = tpu.memref_slice %arg9[%add3A_69, %dma_start3A_136] : memref<10240x128xf32, #tpu.memory_space<vmem_shared>> -> memref<40x128xf32, #tpu.memory_space<vmem_shared>>
      %dma_start3A_138 = arith.constant 0 : i32
      %dma_start3A_139 = arith.constant 0 : i32
      %dma_start3A_140 = tpu.memref_slice %arg7[%dma_start3A_138, %dma_start3A_139] : memref<125x128xf32, #tpu.memory_space<vmem>> -> memref<40x128xf32, #tpu.memory_space<vmem>>
      tpu.enqueue_dma source(%dma_start3A_140 : memref<40x128xf32, #tpu.memory_space<vmem>>) target(%dma_start3A_137 : memref<40x128xf32, #tpu.memory_space<vmem_shared>>) target_semaphore(%run_scoped3A_130 : memref<!tpu.dma_semaphore, #tpu.memory_space<semaphore_mem>>)
      %dma_wait3A_141 = arith.constant 0 : i32
      %dma_wait3A_142 = arith.constant 0 : i32
      %dma_wait3A_143 = tpu.memref_slice %arg7[%dma_wait3A_141, %dma_wait3A_142] : memref<125x128xf32, #tpu.memory_space<vmem>> -> memref<40x128xf32, #tpu.memory_space<vmem>>
      %dma_wait3A_144 = arith.constant 0 : i32
      %dma_wait3A_145 = tpu.memref_slice %arg9[%add3A_69, %dma_wait3A_144] : memref<10240x128xf32, #tpu.memory_space<vmem_shared>> -> memref<40x128xf32, #tpu.memory_space<vmem_shared>>
      %dma_wait3A_146 = arith.constant 0 : i32
      %dma_wait3A_147 = tpu.memref_slice %arg9[%add3A_69, %dma_wait3A_146] : memref<10240x128xf32, #tpu.memory_space<vmem_shared>> -> memref<40x128xf32, #tpu.memory_space<vmem_shared>>
      %dma_wait3A_148 = arith.constant 0 : i32
      %dma_wait3A_149 = arith.constant 0 : i32
      %dma_wait3A_150 = tpu.memref_slice %arg7[%dma_wait3A_148, %dma_wait3A_149] : memref<125x128xf32, #tpu.memory_space<vmem>> -> memref<40x128xf32, #tpu.memory_space<vmem>>
      tpu.wait_dma2 semaphore(%run_scoped3A_130 : memref<!tpu.dma_semaphore, #tpu.memory_space<semaphore_mem>>) src(%dma_wait3A_150 : memref<40x128xf32, #tpu.memory_space<vmem>>) dst(%dma_wait3A_147 : memref<40x128xf32, #tpu.memory_space<vmem_shared>>)
      tpu.yield
    }) : () -> ()
    %barrier3A = arith.constant 0 : index
    tpu.barrier barrier_id(%barrier3A)
    %run_scoped3A = arith.constant 0 : i32
    "tpu.region"() ({
      %run_scoped3A_130 = tpu.sem_alloc : memref<!tpu.dma_semaphore, #tpu.memory_space<semaphore_mem>>
      %dma_start3A_131 = arith.constant 0 : i32
      %dma_start3A_132 = arith.constant 0 : i32
      %dma_start3A_133 = tpu.memref_slice %arg3[%run_scoped3A, %add3A, %dma_start3A_131, %dma_start3A_132] : memref<2x32x80x125xi32, #tpu.memory_space<hbm>> -> memref<1x1x40x125xi32, #tpu.memory_space<hbm>>
      %dma_start3A_134 = tpu.memref_squeeze %dma_start3A_133 : memref<1x1x40x125xi32, #tpu.memory_space<hbm>> -> memref<40x125xi32, #tpu.memory_space<hbm>>
      %dma_start3A_135 = arith.constant 0 : i32
      %dma_start3A_136 = arith.constant 0 : i32
      %dma_start3A_137 = tpu.memref_slice %arg3[%run_scoped3A, %add3A, %dma_start3A_135, %dma_start3A_136] : memref<2x32x80x125xi32, #tpu.memory_space<hbm>> -> memref<1x1x40x125xi32, #tpu.memory_space<hbm>>
      %dma_start3A_138 = tpu.memref_squeeze %dma_start3A_137 : memref<1x1x40x125xi32, #tpu.memory_space<hbm>> -> memref<40x125xi32, #tpu.memory_space<hbm>>
      tpu.enqueue_dma source(%dma_start3A_138 : memref<40x125xi32, #tpu.memory_space<hbm>>) target(%arg5 : memref<40x125xi32, #tpu.memory_space<vmem>>) target_semaphore(%run_scoped3A_130 : memref<!tpu.dma_semaphore, #tpu.memory_space<semaphore_mem>>)
      %dma_wait3A_139 = arith.constant 0 : i32
      %dma_wait3A_140 = arith.constant 0 : i32
      %dma_wait3A_141 = tpu.memref_slice %arg3[%run_scoped3A, %add3A, %dma_wait3A_139, %dma_wait3A_140] : memref<2x32x80x125xi32, #tpu.memory_space<hbm>> -> memref<1x1x40x125xi32, #tpu.memory_space<hbm>>
      %dma_wait3A_142 = tpu.memref_squeeze %dma_wait3A_141 : memref<1x1x40x125xi32, #tpu.memory_space<hbm>> -> memref<40x125xi32, #tpu.memory_space<hbm>>
      %dma_wait3A_143 = arith.constant 0 : i32
      %dma_wait3A_144 = arith.constant 0 : i32
      %dma_wait3A_145 = tpu.memref_slice %arg3[%run_scoped3A, %add3A, %dma_wait3A_143, %dma_wait3A_144] : memref<2x32x80x125xi32, #tpu.memory_space<hbm>> -> memref<1x1x40x125xi32, #tpu.memory_space<hbm>>
      %dma_wait3A_146 = tpu.memref_squeeze %dma_wait3A_145 : memref<1x1x40x125xi32, #tpu.memory_space<hbm>> -> memref<40x125xi32, #tpu.memory_space<hbm>>
      tpu.wait_dma2 semaphore(%run_scoped3A_130 : memref<!tpu.dma_semaphore, #tpu.memory_space<semaphore_mem>>) src(%dma_wait3A_146 : memref<40x125xi32, #tpu.memory_space<hbm>>) dst(%arg5 : memref<40x125xi32, #tpu.memory_space<vmem>>)
      tpu.yield
    }) : () -> ()
    %run_scoped3A_70 = arith.constant 1 : i32
    "tpu.region"() ({
      %run_scoped3A_130 = tpu.sem_alloc : memref<!tpu.dma_semaphore, #tpu.memory_space<semaphore_mem>>
      %dma_start3A_131 = arith.constant 0 : i32
      %dma_start3A_132 = arith.constant 0 : i32
      %dma_start3A_133 = tpu.memref_slice %arg3[%run_scoped3A_70, %add3A, %dma_start3A_131, %dma_start3A_132] : memref<2x32x80x125xi32, #tpu.memory_space<hbm>> -> memref<1x1x40x125xi32, #tpu.memory_space<hbm>>
      %dma_start3A_134 = tpu.memref_squeeze %dma_start3A_133 : memref<1x1x40x125xi32, #tpu.memory_space<hbm>> -> memref<40x125xi32, #tpu.memory_space<hbm>>
      %dma_start3A_135 = arith.constant 0 : i32
      %dma_start3A_136 = arith.constant 0 : i32
      %dma_start3A_137 = tpu.memref_slice %arg3[%run_scoped3A_70, %add3A, %dma_start3A_135, %dma_start3A_136] : memref<2x32x80x125xi32, #tpu.memory_space<hbm>> -> memref<1x1x40x125xi32, #tpu.memory_space<hbm>>
      %dma_start3A_138 = tpu.memref_squeeze %dma_start3A_137 : memref<1x1x40x125xi32, #tpu.memory_space<hbm>> -> memref<40x125xi32, #tpu.memory_space<hbm>>
      tpu.enqueue_dma source(%dma_start3A_138 : memref<40x125xi32, #tpu.memory_space<hbm>>) target(%arg6 : memref<40x125xi32, #tpu.memory_space<vmem>>) target_semaphore(%run_scoped3A_130 : memref<!tpu.dma_semaphore, #tpu.memory_space<semaphore_mem>>)
      %dma_wait3A_139 = arith.constant 0 : i32
      %dma_wait3A_140 = arith.constant 0 : i32
      %dma_wait3A_141 = tpu.memref_slice %arg3[%run_scoped3A_70, %add3A, %dma_wait3A_139, %dma_wait3A_140] : memref<2x32x80x125xi32, #tpu.memory_space<hbm>> -> memref<1x1x40x125xi32, #tpu.memory_space<hbm>>
      %dma_wait3A_142 = tpu.memref_squeeze %dma_wait3A_141 : memref<1x1x40x125xi32, #tpu.memory_space<hbm>> -> memref<40x125xi32, #tpu.memory_space<hbm>>
      %dma_wait3A_143 = arith.constant 0 : i32
      %dma_wait3A_144 = arith.constant 0 : i32
      %dma_wait3A_145 = tpu.memref_slice %arg3[%run_scoped3A_70, %add3A, %dma_wait3A_143, %dma_wait3A_144] : memref<2x32x80x125xi32, #tpu.memory_space<hbm>> -> memref<1x1x40x125xi32, #tpu.memory_space<hbm>>
      %dma_wait3A_146 = tpu.memref_squeeze %dma_wait3A_145 : memref<1x1x40x125xi32, #tpu.memory_space<hbm>> -> memref<40x125xi32, #tpu.memory_space<hbm>>
      tpu.wait_dma2 semaphore(%run_scoped3A_130 : memref<!tpu.dma_semaphore, #tpu.memory_space<semaphore_mem>>) src(%dma_wait3A_146 : memref<40x125xi32, #tpu.memory_space<hbm>>) dst(%arg6 : memref<40x125xi32, #tpu.memory_space<vmem>>)
      tpu.yield
    }) : () -> ()
    %dma_start3A = arith.constant 0 : i32
    %dma_start3A_71 = arith.constant 0 : i32
    %dma_start3A_72 = tpu.memref_slice %arg5[%dma_start3A, %dma_start3A_71] : memref<40x125xi32, #tpu.memory_space<vmem>> -> memref<1x125xi32, #tpu.memory_space<vmem>>
    %dma_start3A_73 = tpu.memref_squeeze %dma_start3A_72 : memref<1x125xi32, #tpu.memory_space<vmem>> -> memref<125xi32, #tpu.memory_space<vmem>>
    %dma_start3A_74 = arith.constant 0 : i32
    %dma_start3A_75 = arith.constant 0 : i32
    %dma_start3A_76 = tpu.memref_slice %arg2[%dma_start3A_74, %dma_start3A_75] : memref<10000x128xf32, #tpu.memory_space<hbm>> -> memref<10000x128xf32, #tpu.memory_space<hbm>>
    tpu.enqueue_indirect_dma source(%dma_start3A_76 : memref<10000x128xf32, #tpu.memory_space<hbm>>) target(%arg7 : memref<125x128xf32, #tpu.memory_space<vmem>>) offsets(%dma_start3A_73 : memref<125xi32, #tpu.memory_space<vmem>>) semaphore(%arg10 : memref<!tpu.dma_semaphore, #tpu.memory_space<semaphore_mem>>)
    %scan3A_77 = arith.constant 0 : i32
    %scan3A_78 = arith.constant 0 : i32
    %scan3A_79 = arith.constant 20 : i32
    %scan3A_80 = arith.addi %scan3A_78, %scan3A_79 : i32
    %scan3A_81 = arith.constant 1 : i32
    scf.for %scan3A_130 = %scan3A_78 to %scan3A_80 step %scan3A_81  : i32 {
      %mul3A_131 = arith.constant 2 : i32
      %mul3A_132 = arith.muli %mul3A_131, %scan3A_130 : i32
      %add3A_133 = arith.constant 0 : i32
      %add3A_134 = arith.addi %mul3A_132, %add3A_133 : i32
      %dma_wait3A_135 = arith.constant 0 : i32
      %dma_wait3A_136 = tpu.memref_slice %arg5[%add3A_134, %dma_wait3A_135] : memref<40x125xi32, #tpu.memory_space<vmem>> -> memref<1x125xi32, #tpu.memory_space<vmem>>
      %dma_wait3A_137 = tpu.memref_squeeze %dma_wait3A_136 : memref<1x125xi32, #tpu.memory_space<vmem>> -> memref<125xi32, #tpu.memory_space<vmem>>
      %dma_wait3A_138 = arith.constant 0 : i32
      %dma_wait3A_139 = arith.constant 0 : i32
      %dma_wait3A_140 = tpu.memref_slice %arg2[%dma_wait3A_138, %dma_wait3A_139] : memref<10000x128xf32, #tpu.memory_space<hbm>> -> memref<10000x128xf32, #tpu.memory_space<hbm>>
      tpu.wait_indirect_dma semaphore(%arg10 : memref<!tpu.dma_semaphore, #tpu.memory_space<semaphore_mem>>) src(%dma_wait3A_140 : memref<10000x128xf32, #tpu.memory_space<hbm>>) dst(%arg7 : memref<125x128xf32, #tpu.memory_space<vmem>>)
      %dma_start3A_141 = arith.constant 0 : i32
      %dma_start3A_142 = tpu.memref_slice %arg6[%add3A_134, %dma_start3A_141] : memref<40x125xi32, #tpu.memory_space<vmem>> -> memref<1x125xi32, #tpu.memory_space<vmem>>
      %dma_start3A_143 = tpu.memref_squeeze %dma_start3A_142 : memref<1x125xi32, #tpu.memory_space<vmem>> -> memref<125xi32, #tpu.memory_space<vmem>>
      %dma_start3A_144 = arith.constant 0 : i32
      %dma_start3A_145 = arith.constant 0 : i32
      %dma_start3A_146 = tpu.memref_slice %arg9[%dma_start3A_144, %dma_start3A_145] : memref<10240x128xf32, #tpu.memory_space<vmem_shared>> -> memref<10240x128xf32, #tpu.memory_space<vmem_shared>>
      tpu.enqueue_indirect_dma source(%arg7 : memref<125x128xf32, #tpu.memory_space<vmem>>) target(%dma_start3A_146 : memref<10240x128xf32, #tpu.memory_space<vmem_shared>>) offsets(%dma_start3A_143 : memref<125xi32, #tpu.memory_space<vmem>>) semaphore(%arg12 : memref<!tpu.dma_semaphore, #tpu.memory_space<semaphore_mem>>) {add = true}
      %ge3A = arith.constant 1 : i32
      %ge3A_147 = arith.cmpi sge, %add3A_134, %ge3A : i32
      %add3A_148 = arith.constant 1 : i32
      %add3A_149 = arith.addi %add3A_134, %add3A_148 : i32
      %lt3A = arith.constant 40 : i32
      %lt3A_150 = arith.cmpi slt, %add3A_149, %lt3A : i32
      %and3A = arith.andi %ge3A_147, %lt3A_150 : i1
      %convert_element_type3A = arith.extui %and3A : i1 to i32
      %cond3A = arith.constant 0 : i32
      %cond3A_151 = arith.cmpi ne, %convert_element_type3A, %cond3A : i32
      scf.if %cond3A_151 {
        %sub3A = arith.constant 1 : i32
        %sub3A_192 = arith.subi %add3A_134, %sub3A : i32
        %dma_wait3A_193 = arith.constant 0 : i32
        %dma_wait3A_194 = tpu.memref_slice %arg6[%sub3A_192, %dma_wait3A_193] : memref<40x125xi32, #tpu.memory_space<vmem>> -> memref<1x125xi32, #tpu.memory_space<vmem>>
        %dma_wait3A_195 = tpu.memref_squeeze %dma_wait3A_194 : memref<1x125xi32, #tpu.memory_space<vmem>> -> memref<125xi32, #tpu.memory_space<vmem>>
        %dma_wait3A_196 = arith.constant 0 : i32
        %dma_wait3A_197 = arith.constant 0 : i32
        %dma_wait3A_198 = tpu.memref_slice %arg9[%dma_wait3A_196, %dma_wait3A_197] : memref<10240x128xf32, #tpu.memory_space<vmem_shared>> -> memref<10240x128xf32, #tpu.memory_space<vmem_shared>>
        tpu.wait_indirect_dma semaphore(%arg13 : memref<!tpu.dma_semaphore, #tpu.memory_space<semaphore_mem>>) src(%arg8 : memref<125x128xf32, #tpu.memory_space<vmem>>) dst(%dma_wait3A_198 : memref<10240x128xf32, #tpu.memory_space<vmem_shared>>)
      } else {
      }
      %add3A_152 = arith.constant 1 : i32
      %add3A_153 = arith.addi %add3A_134, %add3A_152 : i32
      %lt3A_154 = arith.constant 40 : i32
      %lt3A_155 = arith.cmpi slt, %add3A_153, %lt3A_154 : i32
      %convert_element_type3A_156 = arith.extui %lt3A_155 : i1 to i32
      %cond3A_157 = arith.constant 0 : i32
      %cond3A_158 = arith.cmpi ne, %convert_element_type3A_156, %cond3A_157 : i32
      scf.if %cond3A_158 {
        %add3A_192 = arith.constant 1 : i32
        %add3A_193 = arith.addi %add3A_134, %add3A_192 : i32
        %dma_start3A_194 = arith.constant 0 : i32
        %dma_start3A_195 = tpu.memref_slice %arg5[%add3A_193, %dma_start3A_194] : memref<40x125xi32, #tpu.memory_space<vmem>> -> memref<1x125xi32, #tpu.memory_space<vmem>>
        %dma_start3A_196 = tpu.memref_squeeze %dma_start3A_195 : memref<1x125xi32, #tpu.memory_space<vmem>> -> memref<125xi32, #tpu.memory_space<vmem>>
        %dma_start3A_197 = arith.constant 0 : i32
        %dma_start3A_198 = arith.constant 0 : i32
        %dma_start3A_199 = tpu.memref_slice %arg2[%dma_start3A_197, %dma_start3A_198] : memref<10000x128xf32, #tpu.memory_space<hbm>> -> memref<10000x128xf32, #tpu.memory_space<hbm>>
        tpu.enqueue_indirect_dma source(%dma_start3A_199 : memref<10000x128xf32, #tpu.memory_space<hbm>>) target(%arg8 : memref<125x128xf32, #tpu.memory_space<vmem>>) offsets(%dma_start3A_196 : memref<125xi32, #tpu.memory_space<vmem>>) semaphore(%arg11 : memref<!tpu.dma_semaphore, #tpu.memory_space<semaphore_mem>>)
      } else {
      }
      %mul3A_159 = arith.constant 2 : i32
      %mul3A_160 = arith.muli %mul3A_159, %scan3A_130 : i32
      %add3A_161 = arith.constant 1 : i32
      %add3A_162 = arith.addi %mul3A_160, %add3A_161 : i32
      %dma_wait3A_163 = arith.constant 0 : i32
      %dma_wait3A_164 = tpu.memref_slice %arg5[%add3A_162, %dma_wait3A_163] : memref<40x125xi32, #tpu.memory_space<vmem>> -> memref<1x125xi32, #tpu.memory_space<vmem>>
      %dma_wait3A_165 = tpu.memref_squeeze %dma_wait3A_164 : memref<1x125xi32, #tpu.memory_space<vmem>> -> memref<125xi32, #tpu.memory_space<vmem>>
      %dma_wait3A_166 = arith.constant 0 : i32
      %dma_wait3A_167 = arith.constant 0 : i32
      %dma_wait3A_168 = tpu.memref_slice %arg2[%dma_wait3A_166, %dma_wait3A_167] : memref<10000x128xf32, #tpu.memory_space<hbm>> -> memref<10000x128xf32, #tpu.memory_space<hbm>>
      tpu.wait_indirect_dma semaphore(%arg11 : memref<!tpu.dma_semaphore, #tpu.memory_space<semaphore_mem>>) src(%dma_wait3A_168 : memref<10000x128xf32, #tpu.memory_space<hbm>>) dst(%arg8 : memref<125x128xf32, #tpu.memory_space<vmem>>)
      %dma_start3A_169 = arith.constant 0 : i32
      %dma_start3A_170 = tpu.memref_slice %arg6[%add3A_162, %dma_start3A_169] : memref<40x125xi32, #tpu.memory_space<vmem>> -> memref<1x125xi32, #tpu.memory_space<vmem>>
      %dma_start3A_171 = tpu.memref_squeeze %dma_start3A_170 : memref<1x125xi32, #tpu.memory_space<vmem>> -> memref<125xi32, #tpu.memory_space<vmem>>
      %dma_start3A_172 = arith.constant 0 : i32
      %dma_start3A_173 = arith.constant 0 : i32
      %dma_start3A_174 = tpu.memref_slice %arg9[%dma_start3A_172, %dma_start3A_173] : memref<10240x128xf32, #tpu.memory_space<vmem_shared>> -> memref<10240x128xf32, #tpu.memory_space<vmem_shared>>
      tpu.enqueue_indirect_dma source(%arg8 : memref<125x128xf32, #tpu.memory_space<vmem>>) target(%dma_start3A_174 : memref<10240x128xf32, #tpu.memory_space<vmem_shared>>) offsets(%dma_start3A_171 : memref<125xi32, #tpu.memory_space<vmem>>) semaphore(%arg13 : memref<!tpu.dma_semaphore, #tpu.memory_space<semaphore_mem>>) {add = true}
      %ge3A_175 = arith.constant 1 : i32
      %ge3A_176 = arith.cmpi sge, %add3A_162, %ge3A_175 : i32
      %add3A_177 = arith.constant 1 : i32
      %add3A_178 = arith.addi %add3A_162, %add3A_177 : i32
      %lt3A_179 = arith.constant 40 : i32
      %lt3A_180 = arith.cmpi slt, %add3A_178, %lt3A_179 : i32
      %and3A_181 = arith.andi %ge3A_176, %lt3A_180 : i1
      %convert_element_type3A_182 = arith.extui %and3A_181 : i1 to i32
      %cond3A_183 = arith.constant 0 : i32
      %cond3A_184 = arith.cmpi ne, %convert_element_type3A_182, %cond3A_183 : i32
      scf.if %cond3A_184 {
        %sub3A = arith.constant 1 : i32
        %sub3A_192 = arith.subi %add3A_162, %sub3A : i32
        %dma_wait3A_193 = arith.constant 0 : i32
        %dma_wait3A_194 = tpu.memref_slice %arg6[%sub3A_192, %dma_wait3A_193] : memref<40x125xi32, #tpu.memory_space<vmem>> -> memref<1x125xi32, #tpu.memory_space<vmem>>
        %dma_wait3A_195 = tpu.memref_squeeze %dma_wait3A_194 : memref<1x125xi32, #tpu.memory_space<vmem>> -> memref<125xi32, #tpu.memory_space<vmem>>
        %dma_wait3A_196 = arith.constant 0 : i32
        %dma_wait3A_197 = arith.constant 0 : i32
        %dma_wait3A_198 = tpu.memref_slice %arg9[%dma_wait3A_196, %dma_wait3A_197] : memref<10240x128xf32, #tpu.memory_space<vmem_shared>> -> memref<10240x128xf32, #tpu.memory_space<vmem_shared>>
        tpu.wait_indirect_dma semaphore(%arg12 : memref<!tpu.dma_semaphore, #tpu.memory_space<semaphore_mem>>) src(%arg7 : memref<125x128xf32, #tpu.memory_space<vmem>>) dst(%dma_wait3A_198 : memref<10240x128xf32, #tpu.memory_space<vmem_shared>>)
      } else {
      }
      %add3A_185 = arith.constant 1 : i32
      %add3A_186 = arith.addi %add3A_162, %add3A_185 : i32
      %lt3A_187 = arith.constant 40 : i32
      %lt3A_188 = arith.cmpi slt, %add3A_186, %lt3A_187 : i32
      %convert_element_type3A_189 = arith.extui %lt3A_188 : i1 to i32
      %cond3A_190 = arith.constant 0 : i32
      %cond3A_191 = arith.cmpi ne, %convert_element_type3A_189, %cond3A_190 : i32
      scf.if %cond3A_191 {
        %add3A_192 = arith.constant 1 : i32
        %add3A_193 = arith.addi %add3A_162, %add3A_192 : i32
        %dma_start3A_194 = arith.constant 0 : i32
        %dma_start3A_195 = tpu.memref_slice %arg5[%add3A_193, %dma_start3A_194] : memref<40x125xi32, #tpu.memory_space<vmem>> -> memref<1x125xi32, #tpu.memory_space<vmem>>
        %dma_start3A_196 = tpu.memref_squeeze %dma_start3A_195 : memref<1x125xi32, #tpu.memory_space<vmem>> -> memref<125xi32, #tpu.memory_space<vmem>>
        %dma_start3A_197 = arith.constant 0 : i32
        %dma_start3A_198 = arith.constant 0 : i32
        %dma_start3A_199 = tpu.memref_slice %arg2[%dma_start3A_197, %dma_start3A_198] : memref<10000x128xf32, #tpu.memory_space<hbm>> -> memref<10000x128xf32, #tpu.memory_space<hbm>>
        tpu.enqueue_indirect_dma source(%dma_start3A_199 : memref<10000x128xf32, #tpu.memory_space<hbm>>) target(%arg7 : memref<125x128xf32, #tpu.memory_space<vmem>>) offsets(%dma_start3A_196 : memref<125xi32, #tpu.memory_space<vmem>>) semaphore(%arg10 : memref<!tpu.dma_semaphore, #tpu.memory_space<semaphore_mem>>)
      } else {
      }
    }
    %scan3A_82 = arith.constant 20 : i32
    %dma_wait3A = arith.constant 38 : i32
    %dma_wait3A_83 = arith.constant 0 : i32
    %dma_wait3A_84 = tpu.memref_slice %arg6[%dma_wait3A, %dma_wait3A_83] : memref<40x125xi32, #tpu.memory_space<vmem>> -> memref<1x125xi32, #tpu.memory_space<vmem>>
    %dma_wait3A_85 = tpu.memref_squeeze %dma_wait3A_84 : memref<1x125xi32, #tpu.memory_space<vmem>> -> memref<125xi32, #tpu.memory_space<vmem>>
    %dma_wait3A_86 = arith.constant 0 : i32
    %dma_wait3A_87 = arith.constant 0 : i32
    %dma_wait3A_88 = tpu.memref_slice %arg9[%dma_wait3A_86, %dma_wait3A_87] : memref<10240x128xf32, #tpu.memory_space<vmem_shared>> -> memref<10240x128xf32, #tpu.memory_space<vmem_shared>>
    tpu.wait_indirect_dma semaphore(%arg12 : memref<!tpu.dma_semaphore, #tpu.memory_space<semaphore_mem>>) src(%arg7 : memref<125x128xf32, #tpu.memory_space<vmem>>) dst(%dma_wait3A_88 : memref<10240x128xf32, #tpu.memory_space<vmem_shared>>)
    %dma_wait3A_89 = arith.constant 39 : i32
    %dma_wait3A_90 = arith.constant 0 : i32
    %dma_wait3A_91 = tpu.memref_slice %arg6[%dma_wait3A_89, %dma_wait3A_90] : memref<40x125xi32, #tpu.memory_space<vmem>> -> memref<1x125xi32, #tpu.memory_space<vmem>>
    %dma_wait3A_92 = tpu.memref_squeeze %dma_wait3A_91 : memref<1x125xi32, #tpu.memory_space<vmem>> -> memref<125xi32, #tpu.memory_space<vmem>>
    %dma_wait3A_93 = arith.constant 0 : i32
    %dma_wait3A_94 = arith.constant 0 : i32
    %dma_wait3A_95 = tpu.memref_slice %arg9[%dma_wait3A_93, %dma_wait3A_94] : memref<10240x128xf32, #tpu.memory_space<vmem_shared>> -> memref<10240x128xf32, #tpu.memory_space<vmem_shared>>
    tpu.wait_indirect_dma semaphore(%arg13 : memref<!tpu.dma_semaphore, #tpu.memory_space<semaphore_mem>>) src(%arg8 : memref<125x128xf32, #tpu.memory_space<vmem>>) dst(%dma_wait3A_95 : memref<10240x128xf32, #tpu.memory_space<vmem_shared>>)
    %run_scoped3A_96 = arith.constant 0 : i32
    "tpu.region"() ({
      %run_scoped3A_130 = tpu.sem_alloc : memref<!tpu.dma_semaphore, #tpu.memory_space<semaphore_mem>>
      %dma_start3A_131 = arith.constant 40 : i32
      %dma_start3A_132 = arith.constant 0 : i32
      %dma_start3A_133 = tpu.memref_slice %arg3[%run_scoped3A_96, %add3A, %dma_start3A_131, %dma_start3A_132] : memref<2x32x80x125xi32, #tpu.memory_space<hbm>> -> memref<1x1x40x125xi32, #tpu.memory_space<hbm>>
      %dma_start3A_134 = tpu.memref_squeeze %dma_start3A_133 : memref<1x1x40x125xi32, #tpu.memory_space<hbm>> -> memref<40x125xi32, #tpu.memory_space<hbm>>
      %dma_start3A_135 = arith.constant 40 : i32
      %dma_start3A_136 = arith.constant 0 : i32
      %dma_start3A_137 = tpu.memref_slice %arg3[%run_scoped3A_96, %add3A, %dma_start3A_135, %dma_start3A_136] : memref<2x32x80x125xi32, #tpu.memory_space<hbm>> -> memref<1x1x40x125xi32, #tpu.memory_space<hbm>>
      %dma_start3A_138 = tpu.memref_squeeze %dma_start3A_137 : memref<1x1x40x125xi32, #tpu.memory_space<hbm>> -> memref<40x125xi32, #tpu.memory_space<hbm>>
      tpu.enqueue_dma source(%dma_start3A_138 : memref<40x125xi32, #tpu.memory_space<hbm>>) target(%arg5 : memref<40x125xi32, #tpu.memory_space<vmem>>) target_semaphore(%run_scoped3A_130 : memref<!tpu.dma_semaphore, #tpu.memory_space<semaphore_mem>>)
      %dma_wait3A_139 = arith.constant 40 : i32
      %dma_wait3A_140 = arith.constant 0 : i32
      %dma_wait3A_141 = tpu.memref_slice %arg3[%run_scoped3A_96, %add3A, %dma_wait3A_139, %dma_wait3A_140] : memref<2x32x80x125xi32, #tpu.memory_space<hbm>> -> memref<1x1x40x125xi32, #tpu.memory_space<hbm>>
      %dma_wait3A_142 = tpu.memref_squeeze %dma_wait3A_141 : memref<1x1x40x125xi32, #tpu.memory_space<hbm>> -> memref<40x125xi32, #tpu.memory_space<hbm>>
      %dma_wait3A_143 = arith.constant 40 : i32
      %dma_wait3A_144 = arith.constant 0 : i32
      %dma_wait3A_145 = tpu.memref_slice %arg3[%run_scoped3A_96, %add3A, %dma_wait3A_143, %dma_wait3A_144] : memref<2x32x80x125xi32, #tpu.memory_space<hbm>> -> memref<1x1x40x125xi32, #tpu.memory_space<hbm>>
      %dma_wait3A_146 = tpu.memref_squeeze %dma_wait3A_145 : memref<1x1x40x125xi32, #tpu.memory_space<hbm>> -> memref<40x125xi32, #tpu.memory_space<hbm>>
      tpu.wait_dma2 semaphore(%run_scoped3A_130 : memref<!tpu.dma_semaphore, #tpu.memory_space<semaphore_mem>>) src(%dma_wait3A_146 : memref<40x125xi32, #tpu.memory_space<hbm>>) dst(%arg5 : memref<40x125xi32, #tpu.memory_space<vmem>>)
      tpu.yield
    }) : () -> ()
    %run_scoped3A_97 = arith.constant 1 : i32
    "tpu.region"() ({
      %run_scoped3A_130 = tpu.sem_alloc : memref<!tpu.dma_semaphore, #tpu.memory_space<semaphore_mem>>
      %dma_start3A_131 = arith.constant 40 : i32
      %dma_start3A_132 = arith.constant 0 : i32
      %dma_start3A_133 = tpu.memref_slice %arg3[%run_scoped3A_97, %add3A, %dma_start3A_131, %dma_start3A_132] : memref<2x32x80x125xi32, #tpu.memory_space<hbm>> -> memref<1x1x40x125xi32, #tpu.memory_space<hbm>>
      %dma_start3A_134 = tpu.memref_squeeze %dma_start3A_133 : memref<1x1x40x125xi32, #tpu.memory_space<hbm>> -> memref<40x125xi32, #tpu.memory_space<hbm>>
      %dma_start3A_135 = arith.constant 40 : i32
      %dma_start3A_136 = arith.constant 0 : i32
      %dma_start3A_137 = tpu.memref_slice %arg3[%run_scoped3A_97, %add3A, %dma_start3A_135, %dma_start3A_136] : memref<2x32x80x125xi32, #tpu.memory_space<hbm>> -> memref<1x1x40x125xi32, #tpu.memory_space<hbm>>
      %dma_start3A_138 = tpu.memref_squeeze %dma_start3A_137 : memref<1x1x40x125xi32, #tpu.memory_space<hbm>> -> memref<40x125xi32, #tpu.memory_space<hbm>>
      tpu.enqueue_dma source(%dma_start3A_138 : memref<40x125xi32, #tpu.memory_space<hbm>>) target(%arg6 : memref<40x125xi32, #tpu.memory_space<vmem>>) target_semaphore(%run_scoped3A_130 : memref<!tpu.dma_semaphore, #tpu.memory_space<semaphore_mem>>)
      %dma_wait3A_139 = arith.constant 40 : i32
      %dma_wait3A_140 = arith.constant 0 : i32
      %dma_wait3A_141 = tpu.memref_slice %arg3[%run_scoped3A_97, %add3A, %dma_wait3A_139, %dma_wait3A_140] : memref<2x32x80x125xi32, #tpu.memory_space<hbm>> -> memref<1x1x40x125xi32, #tpu.memory_space<hbm>>
      %dma_wait3A_142 = tpu.memref_squeeze %dma_wait3A_141 : memref<1x1x40x125xi32, #tpu.memory_space<hbm>> -> memref<40x125xi32, #tpu.memory_space<hbm>>
      %dma_wait3A_143 = arith.constant 40 : i32
      %dma_wait3A_144 = arith.constant 0 : i32
      %dma_wait3A_145 = tpu.memref_slice %arg3[%run_scoped3A_97, %add3A, %dma_wait3A_143, %dma_wait3A_144] : memref<2x32x80x125xi32, #tpu.memory_space<hbm>> -> memref<1x1x40x125xi32, #tpu.memory_space<hbm>>
      %dma_wait3A_146 = tpu.memref_squeeze %dma_wait3A_145 : memref<1x1x40x125xi32, #tpu.memory_space<hbm>> -> memref<40x125xi32, #tpu.memory_space<hbm>>
      tpu.wait_dma2 semaphore(%run_scoped3A_130 : memref<!tpu.dma_semaphore, #tpu.memory_space<semaphore_mem>>) src(%dma_wait3A_146 : memref<40x125xi32, #tpu.memory_space<hbm>>) dst(%arg6 : memref<40x125xi32, #tpu.memory_space<vmem>>)
      tpu.yield
    }) : () -> ()
    %dma_start3A_98 = arith.constant 0 : i32
    %dma_start3A_99 = arith.constant 0 : i32
    %dma_start3A_100 = tpu.memref_slice %arg5[%dma_start3A_98, %dma_start3A_99] : memref<40x125xi32, #tpu.memory_space<vmem>> -> memref<1x125xi32, #tpu.memory_space<vmem>>
    %dma_start3A_101 = tpu.memref_squeeze %dma_start3A_100 : memref<1x125xi32, #tpu.memory_space<vmem>> -> memref<125xi32, #tpu.memory_space<vmem>>
    %dma_start3A_102 = arith.constant 0 : i32
    %dma_start3A_103 = arith.constant 0 : i32
    %dma_start3A_104 = tpu.memref_slice %arg2[%dma_start3A_102, %dma_start3A_103] : memref<10000x128xf32, #tpu.memory_space<hbm>> -> memref<10000x128xf32, #tpu.memory_space<hbm>>
    tpu.enqueue_indirect_dma source(%dma_start3A_104 : memref<10000x128xf32, #tpu.memory_space<hbm>>) target(%arg7 : memref<125x128xf32, #tpu.memory_space<vmem>>) offsets(%dma_start3A_101 : memref<125xi32, #tpu.memory_space<vmem>>) semaphore(%arg10 : memref<!tpu.dma_semaphore, #tpu.memory_space<semaphore_mem>>)
    %scan3A_105 = arith.constant 0 : i32
    %scan3A_106 = arith.constant 0 : i32
    %scan3A_107 = arith.constant 20 : i32
    %scan3A_108 = arith.addi %scan3A_106, %scan3A_107 : i32
    %scan3A_109 = arith.constant 1 : i32
    scf.for %scan3A_130 = %scan3A_106 to %scan3A_108 step %scan3A_109  : i32 {
      %mul3A_131 = arith.constant 2 : i32
      %mul3A_132 = arith.muli %mul3A_131, %scan3A_130 : i32
      %add3A_133 = arith.constant 0 : i32
      %add3A_134 = arith.addi %mul3A_132, %add3A_133 : i32
      %dma_wait3A_135 = arith.constant 0 : i32
      %dma_wait3A_136 = tpu.memref_slice %arg5[%add3A_134, %dma_wait3A_135] : memref<40x125xi32, #tpu.memory_space<vmem>> -> memref<1x125xi32, #tpu.memory_space<vmem>>
      %dma_wait3A_137 = tpu.memref_squeeze %dma_wait3A_136 : memref<1x125xi32, #tpu.memory_space<vmem>> -> memref<125xi32, #tpu.memory_space<vmem>>
      %dma_wait3A_138 = arith.constant 0 : i32
      %dma_wait3A_139 = arith.constant 0 : i32
      %dma_wait3A_140 = tpu.memref_slice %arg2[%dma_wait3A_138, %dma_wait3A_139] : memref<10000x128xf32, #tpu.memory_space<hbm>> -> memref<10000x128xf32, #tpu.memory_space<hbm>>
      tpu.wait_indirect_dma semaphore(%arg10 : memref<!tpu.dma_semaphore, #tpu.memory_space<semaphore_mem>>) src(%dma_wait3A_140 : memref<10000x128xf32, #tpu.memory_space<hbm>>) dst(%arg7 : memref<125x128xf32, #tpu.memory_space<vmem>>)
      %dma_start3A_141 = arith.constant 0 : i32
      %dma_start3A_142 = tpu.memref_slice %arg6[%add3A_134, %dma_start3A_141] : memref<40x125xi32, #tpu.memory_space<vmem>> -> memref<1x125xi32, #tpu.memory_space<vmem>>
      %dma_start3A_143 = tpu.memref_squeeze %dma_start3A_142 : memref<1x125xi32, #tpu.memory_space<vmem>> -> memref<125xi32, #tpu.memory_space<vmem>>
      %dma_start3A_144 = arith.constant 0 : i32
      %dma_start3A_145 = arith.constant 0 : i32
      %dma_start3A_146 = tpu.memref_slice %arg9[%dma_start3A_144, %dma_start3A_145] : memref<10240x128xf32, #tpu.memory_space<vmem_shared>> -> memref<10240x128xf32, #tpu.memory_space<vmem_shared>>
      tpu.enqueue_indirect_dma source(%arg7 : memref<125x128xf32, #tpu.memory_space<vmem>>) target(%dma_start3A_146 : memref<10240x128xf32, #tpu.memory_space<vmem_shared>>) offsets(%dma_start3A_143 : memref<125xi32, #tpu.memory_space<vmem>>) semaphore(%arg12 : memref<!tpu.dma_semaphore, #tpu.memory_space<semaphore_mem>>) {add = true}
      %ge3A = arith.constant 1 : i32
      %ge3A_147 = arith.cmpi sge, %add3A_134, %ge3A : i32
      %add3A_148 = arith.constant 1 : i32
      %add3A_149 = arith.addi %add3A_134, %add3A_148 : i32
      %lt3A = arith.constant 40 : i32
      %lt3A_150 = arith.cmpi slt, %add3A_149, %lt3A : i32
      %and3A = arith.andi %ge3A_147, %lt3A_150 : i1
      %convert_element_type3A = arith.extui %and3A : i1 to i32
      %cond3A = arith.constant 0 : i32
      %cond3A_151 = arith.cmpi ne, %convert_element_type3A, %cond3A : i32
      scf.if %cond3A_151 {
        %sub3A = arith.constant 1 : i32
        %sub3A_192 = arith.subi %add3A_134, %sub3A : i32
        %dma_wait3A_193 = arith.constant 0 : i32
        %dma_wait3A_194 = tpu.memref_slice %arg6[%sub3A_192, %dma_wait3A_193] : memref<40x125xi32, #tpu.memory_space<vmem>> -> memref<1x125xi32, #tpu.memory_space<vmem>>
        %dma_wait3A_195 = tpu.memref_squeeze %dma_wait3A_194 : memref<1x125xi32, #tpu.memory_space<vmem>> -> memref<125xi32, #tpu.memory_space<vmem>>
        %dma_wait3A_196 = arith.constant 0 : i32
        %dma_wait3A_197 = arith.constant 0 : i32
        %dma_wait3A_198 = tpu.memref_slice %arg9[%dma_wait3A_196, %dma_wait3A_197] : memref<10240x128xf32, #tpu.memory_space<vmem_shared>> -> memref<10240x128xf32, #tpu.memory_space<vmem_shared>>
        tpu.wait_indirect_dma semaphore(%arg13 : memref<!tpu.dma_semaphore, #tpu.memory_space<semaphore_mem>>) src(%arg8 : memref<125x128xf32, #tpu.memory_space<vmem>>) dst(%dma_wait3A_198 : memref<10240x128xf32, #tpu.memory_space<vmem_shared>>)
      } else {
      }
      %add3A_152 = arith.constant 1 : i32
      %add3A_153 = arith.addi %add3A_134, %add3A_152 : i32
      %lt3A_154 = arith.constant 40 : i32
      %lt3A_155 = arith.cmpi slt, %add3A_153, %lt3A_154 : i32
      %convert_element_type3A_156 = arith.extui %lt3A_155 : i1 to i32
      %cond3A_157 = arith.constant 0 : i32
      %cond3A_158 = arith.cmpi ne, %convert_element_type3A_156, %cond3A_157 : i32
      scf.if %cond3A_158 {
        %add3A_192 = arith.constant 1 : i32
        %add3A_193 = arith.addi %add3A_134, %add3A_192 : i32
        %dma_start3A_194 = arith.constant 0 : i32
        %dma_start3A_195 = tpu.memref_slice %arg5[%add3A_193, %dma_start3A_194] : memref<40x125xi32, #tpu.memory_space<vmem>> -> memref<1x125xi32, #tpu.memory_space<vmem>>
        %dma_start3A_196 = tpu.memref_squeeze %dma_start3A_195 : memref<1x125xi32, #tpu.memory_space<vmem>> -> memref<125xi32, #tpu.memory_space<vmem>>
        %dma_start3A_197 = arith.constant 0 : i32
        %dma_start3A_198 = arith.constant 0 : i32
        %dma_start3A_199 = tpu.memref_slice %arg2[%dma_start3A_197, %dma_start3A_198] : memref<10000x128xf32, #tpu.memory_space<hbm>> -> memref<10000x128xf32, #tpu.memory_space<hbm>>
        tpu.enqueue_indirect_dma source(%dma_start3A_199 : memref<10000x128xf32, #tpu.memory_space<hbm>>) target(%arg8 : memref<125x128xf32, #tpu.memory_space<vmem>>) offsets(%dma_start3A_196 : memref<125xi32, #tpu.memory_space<vmem>>) semaphore(%arg11 : memref<!tpu.dma_semaphore, #tpu.memory_space<semaphore_mem>>)
      } else {
      }
      %mul3A_159 = arith.constant 2 : i32
      %mul3A_160 = arith.muli %mul3A_159, %scan3A_130 : i32
      %add3A_161 = arith.constant 1 : i32
      %add3A_162 = arith.addi %mul3A_160, %add3A_161 : i32
      %dma_wait3A_163 = arith.constant 0 : i32
      %dma_wait3A_164 = tpu.memref_slice %arg5[%add3A_162, %dma_wait3A_163] : memref<40x125xi32, #tpu.memory_space<vmem>> -> memref<1x125xi32, #tpu.memory_space<vmem>>
      %dma_wait3A_165 = tpu.memref_squeeze %dma_wait3A_164 : memref<1x125xi32, #tpu.memory_space<vmem>> -> memref<125xi32, #tpu.memory_space<vmem>>
      %dma_wait3A_166 = arith.constant 0 : i32
      %dma_wait3A_167 = arith.constant 0 : i32
      %dma_wait3A_168 = tpu.memref_slice %arg2[%dma_wait3A_166, %dma_wait3A_167] : memref<10000x128xf32, #tpu.memory_space<hbm>> -> memref<10000x128xf32, #tpu.memory_space<hbm>>
      tpu.wait_indirect_dma semaphore(%arg11 : memref<!tpu.dma_semaphore, #tpu.memory_space<semaphore_mem>>) src(%dma_wait3A_168 : memref<10000x128xf32, #tpu.memory_space<hbm>>) dst(%arg8 : memref<125x128xf32, #tpu.memory_space<vmem>>)
      %dma_start3A_169 = arith.constant 0 : i32
      %dma_start3A_170 = tpu.memref_slice %arg6[%add3A_162, %dma_start3A_169] : memref<40x125xi32, #tpu.memory_space<vmem>> -> memref<1x125xi32, #tpu.memory_space<vmem>>
      %dma_start3A_171 = tpu.memref_squeeze %dma_start3A_170 : memref<1x125xi32, #tpu.memory_space<vmem>> -> memref<125xi32, #tpu.memory_space<vmem>>
      %dma_start3A_172 = arith.constant 0 : i32
      %dma_start3A_173 = arith.constant 0 : i32
      %dma_start3A_174 = tpu.memref_slice %arg9[%dma_start3A_172, %dma_start3A_173] : memref<10240x128xf32, #tpu.memory_space<vmem_shared>> -> memref<10240x128xf32, #tpu.memory_space<vmem_shared>>
      tpu.enqueue_indirect_dma source(%arg8 : memref<125x128xf32, #tpu.memory_space<vmem>>) target(%dma_start3A_174 : memref<10240x128xf32, #tpu.memory_space<vmem_shared>>) offsets(%dma_start3A_171 : memref<125xi32, #tpu.memory_space<vmem>>) semaphore(%arg13 : memref<!tpu.dma_semaphore, #tpu.memory_space<semaphore_mem>>) {add = true}
      %ge3A_175 = arith.constant 1 : i32
      %ge3A_176 = arith.cmpi sge, %add3A_162, %ge3A_175 : i32
      %add3A_177 = arith.constant 1 : i32
      %add3A_178 = arith.addi %add3A_162, %add3A_177 : i32
      %lt3A_179 = arith.constant 40 : i32
      %lt3A_180 = arith.cmpi slt, %add3A_178, %lt3A_179 : i32
      %and3A_181 = arith.andi %ge3A_176, %lt3A_180 : i1
      %convert_element_type3A_182 = arith.extui %and3A_181 : i1 to i32
      %cond3A_183 = arith.constant 0 : i32
      %cond3A_184 = arith.cmpi ne, %convert_element_type3A_182, %cond3A_183 : i32
      scf.if %cond3A_184 {
        %sub3A = arith.constant 1 : i32
        %sub3A_192 = arith.subi %add3A_162, %sub3A : i32
        %dma_wait3A_193 = arith.constant 0 : i32
        %dma_wait3A_194 = tpu.memref_slice %arg6[%sub3A_192, %dma_wait3A_193] : memref<40x125xi32, #tpu.memory_space<vmem>> -> memref<1x125xi32, #tpu.memory_space<vmem>>
        %dma_wait3A_195 = tpu.memref_squeeze %dma_wait3A_194 : memref<1x125xi32, #tpu.memory_space<vmem>> -> memref<125xi32, #tpu.memory_space<vmem>>
        %dma_wait3A_196 = arith.constant 0 : i32
        %dma_wait3A_197 = arith.constant 0 : i32
        %dma_wait3A_198 = tpu.memref_slice %arg9[%dma_wait3A_196, %dma_wait3A_197] : memref<10240x128xf32, #tpu.memory_space<vmem_shared>> -> memref<10240x128xf32, #tpu.memory_space<vmem_shared>>
        tpu.wait_indirect_dma semaphore(%arg12 : memref<!tpu.dma_semaphore, #tpu.memory_space<semaphore_mem>>) src(%arg7 : memref<125x128xf32, #tpu.memory_space<vmem>>) dst(%dma_wait3A_198 : memref<10240x128xf32, #tpu.memory_space<vmem_shared>>)
      } else {
      }
      %add3A_185 = arith.constant 1 : i32
      %add3A_186 = arith.addi %add3A_162, %add3A_185 : i32
      %lt3A_187 = arith.constant 40 : i32
      %lt3A_188 = arith.cmpi slt, %add3A_186, %lt3A_187 : i32
      %convert_element_type3A_189 = arith.extui %lt3A_188 : i1 to i32
      %cond3A_190 = arith.constant 0 : i32
      %cond3A_191 = arith.cmpi ne, %convert_element_type3A_189, %cond3A_190 : i32
      scf.if %cond3A_191 {
        %add3A_192 = arith.constant 1 : i32
        %add3A_193 = arith.addi %add3A_162, %add3A_192 : i32
        %dma_start3A_194 = arith.constant 0 : i32
        %dma_start3A_195 = tpu.memref_slice %arg5[%add3A_193, %dma_start3A_194] : memref<40x125xi32, #tpu.memory_space<vmem>> -> memref<1x125xi32, #tpu.memory_space<vmem>>
        %dma_start3A_196 = tpu.memref_squeeze %dma_start3A_195 : memref<1x125xi32, #tpu.memory_space<vmem>> -> memref<125xi32, #tpu.memory_space<vmem>>
        %dma_start3A_197 = arith.constant 0 : i32
        %dma_start3A_198 = arith.constant 0 : i32
        %dma_start3A_199 = tpu.memref_slice %arg2[%dma_start3A_197, %dma_start3A_198] : memref<10000x128xf32, #tpu.memory_space<hbm>> -> memref<10000x128xf32, #tpu.memory_space<hbm>>
        tpu.enqueue_indirect_dma source(%dma_start3A_199 : memref<10000x128xf32, #tpu.memory_space<hbm>>) target(%arg7 : memref<125x128xf32, #tpu.memory_space<vmem>>) offsets(%dma_start3A_196 : memref<125xi32, #tpu.memory_space<vmem>>) semaphore(%arg10 : memref<!tpu.dma_semaphore, #tpu.memory_space<semaphore_mem>>)
      } else {
      }
    }
    %scan3A_110 = arith.constant 20 : i32
    %dma_wait3A_111 = arith.constant 38 : i32
    %dma_wait3A_112 = arith.constant 0 : i32
    %dma_wait3A_113 = tpu.memref_slice %arg6[%dma_wait3A_111, %dma_wait3A_112] : memref<40x125xi32, #tpu.memory_space<vmem>> -> memref<1x125xi32, #tpu.memory_space<vmem>>
    %dma_wait3A_114 = tpu.memref_squeeze %dma_wait3A_113 : memref<1x125xi32, #tpu.memory_space<vmem>> -> memref<125xi32, #tpu.memory_space<vmem>>
    %dma_wait3A_115 = arith.constant 0 : i32
    %dma_wait3A_116 = arith.constant 0 : i32
    %dma_wait3A_117 = tpu.memref_slice %arg9[%dma_wait3A_115, %dma_wait3A_116] : memref<10240x128xf32, #tpu.memory_space<vmem_shared>> -> memref<10240x128xf32, #tpu.memory_space<vmem_shared>>
    tpu.wait_indirect_dma semaphore(%arg12 : memref<!tpu.dma_semaphore, #tpu.memory_space<semaphore_mem>>) src(%arg7 : memref<125x128xf32, #tpu.memory_space<vmem>>) dst(%dma_wait3A_117 : memref<10240x128xf32, #tpu.memory_space<vmem_shared>>)
    %dma_wait3A_118 = arith.constant 39 : i32
    %dma_wait3A_119 = arith.constant 0 : i32
    %dma_wait3A_120 = tpu.memref_slice %arg6[%dma_wait3A_118, %dma_wait3A_119] : memref<40x125xi32, #tpu.memory_space<vmem>> -> memref<1x125xi32, #tpu.memory_space<vmem>>
    %dma_wait3A_121 = tpu.memref_squeeze %dma_wait3A_120 : memref<1x125xi32, #tpu.memory_space<vmem>> -> memref<125xi32, #tpu.memory_space<vmem>>
    %dma_wait3A_122 = arith.constant 0 : i32
    %dma_wait3A_123 = arith.constant 0 : i32
    %dma_wait3A_124 = tpu.memref_slice %arg9[%dma_wait3A_122, %dma_wait3A_123] : memref<10240x128xf32, #tpu.memory_space<vmem_shared>> -> memref<10240x128xf32, #tpu.memory_space<vmem_shared>>
    tpu.wait_indirect_dma semaphore(%arg13 : memref<!tpu.dma_semaphore, #tpu.memory_space<semaphore_mem>>) src(%arg8 : memref<125x128xf32, #tpu.memory_space<vmem>>) dst(%dma_wait3A_124 : memref<10240x128xf32, #tpu.memory_space<vmem_shared>>)
    %barrier3A_125 = arith.constant 0 : index
    tpu.barrier barrier_id(%barrier3A_125)
    %mul3A_126 = arith.constant 640 : i32
    %mul3A_127 = arith.muli %arg1, %mul3A_126 : i32
    %mul3A_128 = arith.constant 640 : i32
    %mul3A_129 = arith.muli %arg1, %mul3A_128 : i32
    "tpu.region"() ({
      %run_scoped3A_130 = tpu.sem_alloc : memref<!tpu.dma_semaphore, #tpu.memory_space<semaphore_mem>>
      %dma_start3A_131 = arith.constant 0 : i32
      %dma_start3A_132 = tpu.memref_slice %arg4[%arg0, %mul3A_129, %dma_start3A_131] : memref<2x10240x128xf32, #tpu.memory_space<hbm>> -> memref<1x640x128xf32, #tpu.memory_space<hbm>>
      %dma_start3A_133 = tpu.memref_squeeze %dma_start3A_132 : memref<1x640x128xf32, #tpu.memory_space<hbm>> -> memref<640x128xf32, #tpu.memory_space<hbm>>
      %dma_start3A_134 = arith.constant 0 : i32
      %dma_start3A_135 = tpu.memref_slice %arg9[%mul3A_127, %dma_start3A_134] : memref<10240x128xf32, #tpu.memory_space<vmem_shared>> -> memref<640x128xf32, #tpu.memory_space<vmem_shared>>
      tpu.enqueue_dma source(%dma_start3A_135 : memref<640x128xf32, #tpu.memory_space<vmem_shared>>) target(%dma_start3A_133 : memref<640x128xf32, #tpu.memory_space<hbm>>) target_semaphore(%run_scoped3A_130 : memref<!tpu.dma_semaphore, #tpu.memory_space<semaphore_mem>>)
      %dma_wait3A_136 = arith.constant 0 : i32
      %dma_wait3A_137 = tpu.memref_slice %arg4[%arg0, %mul3A_129, %dma_wait3A_136] : memref<2x10240x128xf32, #tpu.memory_space<hbm>> -> memref<1x640x128xf32, #tpu.memory_space<hbm>>
      %dma_wait3A_138 = tpu.memref_squeeze %dma_wait3A_137 : memref<1x640x128xf32, #tpu.memory_space<hbm>> -> memref<640x128xf32, #tpu.memory_space<hbm>>
      %dma_wait3A_139 = arith.constant 0 : i32
      %dma_wait3A_140 = tpu.memref_slice %arg9[%mul3A_127, %dma_wait3A_139] : memref<10240x128xf32, #tpu.memory_space<vmem_shared>> -> memref<640x128xf32, #tpu.memory_space<vmem_shared>>
      tpu.wait_dma2 semaphore(%run_scoped3A_130 : memref<!tpu.dma_semaphore, #tpu.memory_space<semaphore_mem>>) src(%dma_wait3A_140 : memref<640x128xf32, #tpu.memory_space<vmem_shared>>) dst(%dma_wait3A_138 : memref<640x128xf32, #tpu.memory_space<hbm>>)
      tpu.yield
    }) : () -> ()
    return
  }
}

module attributes {stable_mosaic.version = 14 : i64} {
  func.func @_combine_body(%arg0: i32, %arg1: memref<2x2000x128xf32, #tpu.memory_space<vmem>>, %arg2: memref<2000x128xf32, #tpu.memory_space<vmem>>) attributes {dimension_semantics = [#tpu.dimension_semantics<arbitrary>], iteration_bounds = array<i64: 5>, scalar_prefetch = 0 : i64, scratch_operands = 0 : i64, tpu.core_type = #tpu.core_type<tc>, window_params = [{transform_indices = @transform_0, window_bounds = array<i64: 2, 2000, 128>}, {transform_indices = @transform_1, window_bounds = array<i64: 2000, 128>}]} {
    %get3A = arith.constant 0 : index
    %get3A_0 = arith.constant 0 : index
    %get3A_1 = arith.constant 0 : index
    %get3A_2 = vector.load %arg1[%get3A, %get3A_0, %get3A_1] : memref<2x2000x128xf32, #tpu.memory_space<vmem>>, vector<1x2000x128xf32>
    %get3A_3 = vector.shape_cast %get3A_2 : vector<1x2000x128xf32> to vector<2000x128xf32>
    %get3A_4 = arith.constant 1 : index
    %get3A_5 = arith.constant 0 : index
    %get3A_6 = arith.constant 0 : index
    %get3A_7 = vector.load %arg1[%get3A_4, %get3A_5, %get3A_6] : memref<2x2000x128xf32, #tpu.memory_space<vmem>>, vector<1x2000x128xf32>
    %get3A_8 = vector.shape_cast %get3A_7 : vector<1x2000x128xf32> to vector<2000x128xf32>
    %add3A = arith.addf %get3A_3, %get3A_8 : vector<2000x128xf32>
    %swap3A = arith.constant 0 : index
    %swap3A_9 = arith.constant 0 : index
    %swap3A_10 = vector.load %arg2[%swap3A, %swap3A_9] : memref<2000x128xf32, #tpu.memory_space<vmem>>, vector<2000x128xf32>
    tpu.vector_store %arg2[%swap3A, %swap3A_9], %add3A {strides = array<i32>} : memref<2000x128xf32, #tpu.memory_space<vmem>>, vector<2000x128xf32>,
    return
  }
  func.func @transform_0(%arg0: i32) -> (i32, i32, i32) {
    %c0_i32 = arith.constant 0 : i32
    %c0_i32_0 = arith.constant 0 : i32
    %c0_i32_1 = arith.constant 0 : i32
    return %c0_i32, %arg0, %c0_i32_0 : i32, i32, i32
  }
  func.func @transform_1(%arg0: i32) -> (i32, i32) {
    %c0_i32 = arith.constant 0 : i32
    %c0_i32_0 = arith.constant 0 : i32
    return %arg0, %c0_i32 : i32, i32
  }
}

</mosaic_0001>

<sc_bundles>
// kernel: kernel.4.cloned.1.call-start
scs
__scs_entry_jumppad:
0x0: {  	(pc) =	sbr.rel $0x88, $3  }
0x1: {  	(tag) =	ssettag $0x0;
	lr =	simm.s32 $0x1  }
0x2: {  	[smem:$0x3F9F] =	sst lr;
	_ =	strace $0xD0000000  }
0x3: {  	_ = 	snop  }
0x4: {  	_ = 	snop  }
0x5: {  	_ = 	snop  }
0x6: {  	_ = 	snop  }
0x7: {  	_ = 	snop  }
__scs_overlays_trampoline_lowered:
0x8: {  	[smem:$0x3FAE] =	sst s0  }
0x9: {  	[smem:$0x3FAF] =	sst s1  }
0xa: {  	[smem:$0x3FB0] =	sst s2  }
0xb: {  	[smem:$0x3FB1] =	sst s3  }
0xc: {  	[smem:$0x3FB2] =	sst s4  }
0xd: {  	[smem:$0x3FB3] =	sst s5  }
0xe: {  	[smem:$0x3FB4] =	sst s6  }
0xf: {  	[smem:$0x3FB5] =	sst s7  }
0x10: {  	[smem:$0x3FB6] =	sst s8  }
0x11: {  	[smem:$0x3FB7] =	sst s9;
	s0 =	simm.s32 @!p0 $0x0  }
0x12: {  	s1 =	sld [smem:$0x3F9D];
	s0 =	simm.s32 @p0 $0x1  }
0x13: {  	[smem:$0x3FB8] =	sst s0;
	s0 =	simm.s32 @!p1 $0x0  }
0x14: {  	s2 =	sld [smem:$0x3F9C];
	s0 =	simm.s32 @p1 $0x1  }
0x15: {  	[smem:$0x3FB9] =	sst s0;
	s0 =	simm.s32 @!p2 $0x0  }
0x16: {  	s3 =	sld [smem:$0x3FDB];
	s0 =	simm.s32 @p2 $0x1  }
0x17: {  	s4 =	simm.s32 $0x1BF5;
	[smem:$0x3FBB] =	sst s0  }
0x18: {  	s0 =	sld [smem:$0x3F9E];
	_ =	swait.ge [sflag:s4], $0x0  }
0x19: {  	s7 =	sld [smem:$0x3F9F]  }
0x1a: {  	s8 =	sadd.s32 $0xFFFFE003, lr  }
0x1b: {  	s9 =	sadd.s32 $0xFFFFFEF7, lr;
	s5 =	simm.s32 $0xFFFFFFFF;
	p2 =	slt.u32 s8, $0xFFFFF086  }
0x1c: {  	p1 =	slt.u32 s9, $0xF7A;
	s5 =	simm.s32 @!p2 $0x0  }
0x1d: {  	s5 =	simm.s32 @p1 $0x1;
	p0 =	seq.s32 s7, s2  }
0x1e: {  	s7 =	smul.u32 @!p0 $0xF7A, s2;
	p2 =	seq.s32 @!p0 s5, $0x0  }
0x1f: {  	s9 =	smul.u32 $0xF7A, s1;
	s8 =	simm.s32 @!p0 $0x1BF5;
	p2 =	por !p2, p0  }
0x20: {  	[sflag:s8] =	ssyncset.s32 @!p0 $0xFFFFF086;
	s6 =	sadd.s32 @!p0 s3, s7;
	s7 =	simm.s32 @!p0 $0x108  }
0x21: {  	s3 =	sadd.s32 s3, s9;
	s6 =	sadd.s32 @!p0 $0x88, s6;
	s7 =	simm.s32 @p2 $0x1082  }
0x22: {  	[simem:s7], [sflag:s8] =	dma.local @!p0 [hbm:s6], $0xF7A  }
0x23: {  	s9 =	sor.u32 $0xD0000000, s2;
	s6 =	simm.s32 $0x108;
	_ =	swait.ge @!p0 [sflag:s8], $0x0  }
0x24: {  	s3 =	sadd.s32 $0x88, s3;
	s6 =	simm.s32 @!p1 $0x1082;
	[sflag:s4] =	ssyncset.s32 $0xFFFFF086  }
0x25: {  	[simem:s6], [sflag:s4] =	dma.local [hbm:s3], $0xF7A  }
0x26: {  	[smem:$0x3F9F] =	sst s1;
	(tag) =	ssettag s2;
	_ =	strace s9  }
0x27: {  	s1 =	sld [smem:$0x3FAF]  }
0x28: {  	s2 =	sld [smem:$0x3FB0]  }
0x29: {  	s4 =	sld [smem:$0x3FB2]  }
0x2a: {  	p0 =	seq.s32 s5, $0x0;
	s5 =	sld [smem:$0x3FB3]  }
0x2b: {  	s6 =	sld [smem:$0x3FB4]  }
0x2c: {  	s7 =	sld [smem:$0x3FB5]  }
0x2d: {  	s3 =	simm.s32 $0x108;
	s8 =	sld [smem:$0x3FB6]  }
0x2e: {  	s3 =	simm.s32 @!p0 $0x1082;
	s9 =	sld [smem:$0x3FB7]  }
0x2f: {  	lr =	sadd.s32 s0, s3;
	s0 =	sld [smem:$0x3FAE]  }
0x30: {  	s3 =	sld [smem:$0x3FB1]  }
0x31: {  	[smem:$0x3FBA] =	sst s10  }
0x32: {  	s10 =	sld [smem:$0x3FB8];
	_ =	sdelay $0x3  }
0x33: {  	p0 =	seq.s32 s10, $0x1;
	s10 =	sld [smem:$0x3FBA];
	_ =	sdelay $0x3  }
0x34: {  	[smem:$0x3FBA] =	sst s10  }
0x35: {  	s10 =	sld [smem:$0x3FB9];
	_ =	sdelay $0x3  }
0x36: {  	p1 =	seq.s32 s10, $0x1;
	s10 =	sld [smem:$0x3FBA];
	_ =	sdelay $0x3  }
0x37: {  	[smem:$0x3FBA] =	sst s10  }
0x38: {  	s10 =	sld [smem:$0x3FBB]  }
0x39: {  	_ = 	snop;
	(pc) =	sbr.ind lr, $3  }
0x3a: {  	_ = 	snop  }
0x3b: {  	_ = 	snop  }
0x3c: {  	p2 =	seq.s32 s10, $0x1;
	s10 =	sld [smem:$0x3FBA]  }
0x3d: {  	_ =	shalt  }
0x3e: {  	_ =	shalt  }
0x3f: {  	_ =	shalt  }
0x40: {  	_ =	shalt  }
0x41: {  	_ =	shalt  }
0x42: {  	_ =	shalt  }
0x43: {  	_ =	shalt  }
0x44: {  	_ =	shalt  }
0x45: {  	_ =	shalt  }
0x46: {  	_ =	shalt  }
0x47: {  	_ =	shalt  }
0x48: {  	_ =	shalt  }
0x49: {  	_ =	shalt  }
0x4a: {  	_ =	shalt  }
0x4b: {  	_ =	shalt  }
0x4c: {  	_ =	shalt  }
0x4d: {  	_ =	shalt  }
0x4e: {  	_ =	shalt  }
0x4f: {  	_ =	shalt  }
0x50: {  	_ =	shalt  }
0x51: {  	_ =	shalt  }
0x52: {  	_ =	shalt  }
0x53: {  	_ =	shalt  }
0x54: {  	_ =	shalt  }
0x55: {  	_ =	shalt  }
0x56: {  	_ =	shalt  }
0x57: {  	_ =	shalt  }
0x58: {  	_ =	shalt  }
0x59: {  	_ =	shalt  }
0x5a: {  	_ =	shalt  }
0x5b: {  	_ =	shalt  }
0x5c: {  	_ =	shalt  }
0x5d: {  	_ =	shalt  }
0x5e: {  	_ =	shalt  }
0x5f: {  	_ =	shalt  }
0x60: {  	_ =	shalt  }
0x61: {  	_ =	shalt  }
0x62: {  	_ =	shalt  }
0x63: {  	_ =	shalt  }
0x64: {  	_ =	shalt  }
0x65: {  	_ =	shalt  }
0x66: {  	_ =	shalt  }
0x67: {  	_ =	shalt  }
0x68: {  	_ =	shalt  }
0x69: {  	_ =	shalt  }
0x6a: {  	_ =	shalt  }
0x6b: {  	_ =	shalt  }
0x6c: {  	_ =	shalt  }
0x6d: {  	_ =	shalt  }
0x6e: {  	_ =	shalt  }
0x6f: {  	_ =	shalt  }
0x70: {  	_ =	shalt  }
0x71: {  	_ =	shalt  }
0x72: {  	_ =	shalt  }
0x73: {  	_ =	shalt  }
0x74: {  	_ =	shalt  }
0x75: {  	_ =	shalt  }
0x76: {  	_ =	shalt  }
0x77: {  	_ =	shalt  }
0x78: {  	_ =	shalt  }
0x79: {  	_ =	shalt  }
0x7a: {  	_ =	shalt  }
0x7b: {  	_ =	shalt  }
0x7c: {  	_ =	shalt  }
0x7d: {  	_ =	shalt  }
0x7e: {  	_ =	shalt  }
0x7f: {  	_ =	shalt  }
0x80: {  	_ =	shalt  }
0x81: {  	_ =	shalt  }
0x82: {  	_ =	shalt  }
0x83: {  	_ =	shalt  }
0x84: {  	_ =	shalt  }
0x85: {  	_ =	shalt  }
0x86: {  	_ =	shalt  }
0x87: {  	_ =	shalt  }
.Lfunc_end0:
.L_simem_size_0:
called_computation_lowered:
.L_overlay_start_0:
0x88: {  	s2 =	sld [smem:$0x3FD9]  }
0x89: {  	s3 =	sld [smem:$0x3FFE];
	_ =	sdelay $0x1  }
0x8a: {  	s1 =	srdreg.scid  }
0x8b: {  	s0 =	sand.u32 $0x1, s1  }
0x8c: {  	s17 =	sshll.u32 s0, $0xA;
	s2 =	sadd.s32 s3, s2  }
0x8d: {  	s2 =	sadd.s32 s2, s17  }
0x8e: {  	[smem:$0x3FC6] =	sst s2  }
0x8f: {  	_ = 	snop  }
0x90: {  	s2 =	sld [smem:$0x3FC9]  }
0x91: {  	s18 =	sld [smem:$0x3FD0];
	(tm) =	ssettm $0x1  }
0x92: {  	s4 =	sld [smem:$0x3FFB];
	_ =	sdelay $0x3  }
0x93: {  	_ =	strace s4  }
0x94: {  	s4 =	sld [smem:$0x3FFC];
	_ =	sdelay $0x3  }
0x95: {  	_ =	strace s4  }
0x96: {  	s4 =	sld [smem:$0x3FFD];
	_ =	sdelay $0x3  }
0x97: {  	_ =	strace s4  }
0x98: {  	_ =	strace $0x8FFFFFFF  }
0x99: {  	s19 =	sld [smem:$0x3FDB];
	_ =	sdelay $0x1  }
0x9a: {  	s5 =	simm.s32 $_scs_section_size  }
0x9b: {  	s6 =	simm.s32 $_size__tile_overlayer_lowered;
	s7 =	simm.s32 $_tile_overlayer_lowered  }
0x9c: {  	s22 =	simm.s32 $0x1BFF;
	s21 =	sshll.u32 s7, $0x1;
	s4 =	sadd.s32 s5, s19  }
0x9d: {  	s8 =	simm.s32 $0x0;
	s20 =	sshll.u32 s6, $0x1;
	s6 =	sadd.s32 s21, s4  }
0x9e: {  	[timem:s8], [sflag:s22] =	dma.local [hbm:s6], s20  }
0x9f: {  	_ =	swait.ge [sflag:s22], s20  }
0xa0: {  	s5 =	ssub.s32 $0x0, s20;
	[sflag:s22] =	ssyncset.done $0x0  }
0xa1: {  	[sflag:s22] =	ssyncadd.s32 s5;
	_ =	sdelay $0x1  }
0xa2: {  	s23 =	simm.s32 $0x1B8B  }
0xa3: {  	_ =	swait.ge [sflag:s23], $0x1  }
0xa4: {  	[sflag:s23] =	ssyncset.done $0x0  }
0xa5: {  	s25 =	simm.s32 $0x1B8E;
	s24 =	sld [smem:$0x3FFE];
	[sflag:s23] =	ssyncadd.s32 $0xFFFFFFFF  }
0xa6: {  	s26 =	simm.s32 $execute0_lowered;
	[smem:$0x3FD2] =	sst s25  }
0xa7: {  	s6 =	sshll.u32 s26, $0x1;
	_ =	strace $0x80000046;
	[dreg:$0x1] =	wrdreg $0xFFFFFFFF  }
0xa8: {  	s28 =	simm.s32 $_size_execute0_lowered;
	s4 =	sadd.s32 s4, s6;
	[dreg:$0x0] =	wrdreg $0x0  }
0xa9: {  	s6 =	sshll.u32 s28, $0x1;
	[dreg:$0x2] =	wrdreg s4  }
0xaa: {  	[dreg:$0x3] =	wrdreg s6  }
0xab: {  	[dreg:$0x4] =	wrdreg $0xC0  }
0xac: {  	_ =	task [dreg:s8], $0x5FFFF  }
0xad: {  	[dreg:$0x1] =	wrdreg $0xFFFFFFFF  }
0xae: {  	[dreg:$0x0] =	wrdreg $0x60  }
0xaf: {  	[dreg:$0x2] =	wrdreg s2  }
0xb0: {  	[dreg:$0x3] =	wrdreg s18  }
0xb1: {  	[dreg:$0x4] =	wrdreg s24  }
0xb2: {  	[dreg:$0x5] =	wrdreg $0xA8000  }
0xb3: {  	[dreg:$0x6] =	wrdreg $0x9  }
0xb4: {  	_ =	task.clear_ibuf [dreg:s8], $0x7FFFF;
	_ =	strace $0x90000046  }
0xb5: {  	s29 =	simm.s32 $0x9;
	_ =	strace $0x80000048  }
0xb6: {  	_ =	swait.ge [sflag:s29], $0x1  }
0xb7: {  	[sflag:s29] =	ssyncadd.s32 $0xFFFFFFFF  }
0xb8: {  	_ =	strace $0x90000048  }
0xb9: {  	_ =	sfence  }
0xba: {  	s30 =	sld [smem:$0x0];
	_ =	sdelay $0x2  }
0xbb: {  	s31 =	sshll.u32 s1, $0xD;
	s1 =	sshrl.u32 s1, $0x2  }
0xbc: {  	s3 =	sand.u32 $0x4000, s31;
	s1 =	sadd.s32 s1, s30  }
0xbd: {  	s0 =	sor.u32 s3, s0;
	s1 =	sshll.u32 s1, $0x11  }
0xbe: {  	s0 =	sor.u32 s1, s0  }
0xbf: {  	s0 =	sadd.s32 $0x8F2B, s0  }
0xc0: {  	[sflag:s0] =	ssyncadd.remote.s32 $0x1  }
0xc1: {  	_ =	sfence.sel $0xFFFF  }
0xc2: {  	[dreg:$0x0] =	wrdreg $0xFFFFFFFF;
	(pc) =	sbr.abs _section_cstart, $3  }
0xc3: {  	[dreg:$0x1] =	wrdreg $0xFFFFFFFF  }
0xc4: {  	_ =	task.clear_ibuf [dreg:s8], $0x2FFFF;
	_ =	strace $0x9FFFFFFF  }
0xc5: {  	(tm) =	ssettm $0x7FFFFFFF  }
tec
execute0_lowered:
.L_overlay_start_1:
0x0: {  	(tag) =	ssettag $0x1  }
0x1: {  	s1 =	rddreg [dreg:$0x0];
	s0 =	srdreg.scid  }
0x2: {  	s2 =	rddreg [dreg:$0x1];
	s9 =	stileid.u32  }
0x3: {  	s6 =	rddreg [dreg:$0x2];
	s0 =	sand.u32 $0x1, s0;
	s7 =	smul.u32 $0x14000, s9  }
0x4: {  	s3 =	rddreg [dreg:$0x3];
	s4 =	simm.s32 $0x0;
	s5 =	smul.u32 $0x140000, s0  }
0x5: {  	s28 =	simm.s32 $0x2800;
	s29 =	simm.s32 $0x5;
	s16 =	smul.u32 $0x50000, s9  }
0x6: {  	s30 =	simm.s32 $0x1400;
	s31 =	simm.s32 $0x7D;
	s5 =	sadd.s32 s7, s5  }
0x7: {  	s10 =	simm.s32 $0x100;
	s7 =	sshrl.u32 s16, $0x2;
	s5 =	sshrl.u32 s5, $0x3  }
0x8: {  	s11 =	simm.s32 $0x4;
	s6 =	sadd.s32 s5, s6;
	s5 =	sadd.s32 s7, s3  }
0x9: {  	s12 =	simm.s32 $0x0;
	[smem:$0x7FF] =	sst s4;
	s7 =	sadd.s32 $0x1400, s5  }
0xa: {  	_ =	strace $0x80000047;
	s18 =	sadd.s32 $0x2800, s5;
	[dreg:$0x5] =	wrdreg s7  }
0xb: {  	s17 =	ssub.s32 $0x2, s0;
	s19 =	sadd.s32 $0x3C00, s5;
	[dreg:$0x6] =	wrdreg s18  }
0xc: {  	s0 =	sshll.u32 s0, $0x4;
	s20 =	sadd.s32 $0x5000, s5;
	[dreg:$0x7] =	wrdreg s19  }
0xd: {  	s8 =	sshrl.u32 s17, $0x1;
	s21 =	sadd.s32 $0x6400, s5;
	[dreg:$0x8] =	wrdreg s20  }
0xe: {  	s0 =	sor.u32 s9, s0;
	s22 =	sadd.s32 $0x7800, s5;
	[dreg:$0x9] =	wrdreg s21  }
0xf: {  	s9 =	simm.s32 $0x3;
	s23 =	sadd.s32 $0x8C00, s5;
	[dreg:$0xa] =	wrdreg s22  }
0x10: {  	s0 =	smul.u32 $0x2800, s0;
	s24 =	sadd.s32 $0xA000, s5;
	[dreg:$0xb] =	wrdreg s23  }
0x11: {  	s8 =	ssub.s32 s17, s8;
	s25 =	sadd.s32 $0xB400, s5;
	[dreg:$0xc] =	wrdreg s24  }
0x12: {  	s0 =	sshrl.u32 s0, $0x3;
	s26 =	sadd.s32 $0xC800, s5;
	[dreg:$0xd] =	wrdreg s25  }
0x13: {  	s16 =	sadd.s32 $0xDC00, s5;
	s17 =	sadd.s32 $0xF000, s5;
	[dreg:$0xe] =	wrdreg s26  }
.Ltmp0:
0x14: {  	s18 =	sadd.s32 $0x10400, s5;
	s19 =	sadd.s32 $0x11800, s5;
	(pc) =	sbr.rel .LBB2_1-.Ltmp0, $4  }
0x15: {  	s20 =	sadd.s32 $0x12C00, s5;
	s21 =	sadd.s32 s2, s0;
	s24 =	sadd.s32 $0x600, s6  }
0x16: {  	s25 =	smax.u32 s8, $0x1;
	s2 =	simm.s32 $0x1;
	s0 =	simm.s32 $0x80  }
0x17: {  	s6 =	simm.s32 $0x6800;
	s7 =	simm.s32 $0x2;
	s8 =	simm.s32 $0x1480  }
0x18: {  	v0 =	vimm.f32 $0.0e+00;
	s22 =	sadd.s32 $0xA000, s21;
	s23 =	sadd.s32 $0x280, s21;
	s26 =	sadd.s32 $0xA280, s21  }
.LBB2_9:
0x19: {  	_ =	swait.ge [sflag:s11], $0x3E80;
	s13 =	stileid.u32  }
0x1a: {  	s14 =	sshrl.u32 s5, $0x3;
	s12 =	sadd.s32 $0x1, s12;
	[sflag:s11] =	ssyncset.done $0x0  }
0x1b: {  	s13 =	sshll.u32 s13, $0x6;
	p0 =	sne.s32 s12, s25;
	[sflag:s11] =	ssyncadd.s32 $0xFFFFC180  }
.Ltmp1:
0x1c: {  	s13 =	sor.u32 $0x1C05, s13;
	[bflag:$0x0] =	sbarrier.arrive $0xFFFF;
	(pc) =	sbr.rel @!p0 .LBB2_10-.Ltmp1, $4  }
0x1d: {  	[hbm:s24], [sflag:s13] =	dma.local [spmem:s14], $0x2800  }
0x1e: {  	_ =	swait.ge [sflag:s29], $0x2800  }
0x1f: {  	[sflag:s29] =	ssyncset.done $0x0  }
0x20: {  	[sflag:s29] =	ssyncadd.s32 $0xFFFFD800  }
.LBB2_1:
0x21: {  	s13 =	simm.s32 $0x0;
	s14 =	simm.s32 $0x200  }
.LBB2_2:
0x22: {  	p0 =	sne.s32 s14, $0xF800;
	[tilespmem:s13+$0x2870] =	vst v0  }
0x23: {  	[tilespmem:s13+$0x2800] =	vst v0  }
0x24: {  	[tilespmem:s13+$0x2810] =	vst v0  }
.Ltmp2:
0x25: {  	[tilespmem:s13+$0x2820] =	vst v0;
	(pc) =	sbr.rel @p0 .LBB2_2-.Ltmp2, $4  }
0x26: {  	[tilespmem:s13+$0x2830] =	vst v0  }
0x27: {  	[tilespmem:s13+$0x2840] =	vst v0  }
0x28: {  	[tilespmem:s13+$0x2850] =	vst v0  }
0x29: {  	[tilespmem:s13+$0x2860] =	vst v0;
	s13 =	sshra.s32 s14, $0x2;
	s14 =	sadd.s32 $0x200, s14  }
0x2a: {  	[tilespmem:s13+$0x2870] =	vst v0  }
0x2b: {  	[tilespmem:s13+$0x2800] =	vst v0  }
0x2c: {  	[tilespmem:s13+$0x2810] =	vst v0  }
0x2d: {  	[tilespmem:s13+$0x2820] =	vst v0  }
0x2e: {  	[tilespmem:s13+$0x2830] =	vst v0  }
0x2f: {  	[tilespmem:s13+$0x2840] =	vst v0  }
0x30: {  	[tilespmem:s13+$0x2850] =	vst v0  }
0x31: {  	[tilespmem:s13+$0x2860] =	vst v0  }
0x32: {  	[spmem:s5] =	stream.linear.scatter [tilespmem:s28], [sflag:$0x5], $0x1400, $0x38;
	[tilespmem:$0x1E800] =	vst v63  }
0x33: {  	_ =	swait.ge [sflag:s29], $0x1400  }
0x34: {  	[sflag:s29] =	ssyncset.done $0x0  }
0x35: {  	s14 =	rddreg [dreg:$0x5];
	[sflag:s29] =	ssyncadd.s32 $0xFFFFEC00  }
0x36: {  	[spmem:s14] =	stream.linear.scatter [tilespmem:s28], [sflag:$0x5], $0x1400, $0x38;
	[tilespmem:$0x1E800] =	vst v63  }
0x37: {  	_ =	swait.ge [sflag:s29], $0x1400  }
0x38: {  	[sflag:s29] =	ssyncset.done $0x0  }
0x39: {  	s15 =	rddreg [dreg:$0x6];
	[sflag:s29] =	ssyncadd.s32 $0xFFFFEC00  }
0x3a: {  	[spmem:s15] =	stream.linear.scatter [tilespmem:s28], [sflag:$0x5], $0x1400, $0x38;
	[tilespmem:$0x1E800] =	vst v63  }
0x3b: {  	_ =	swait.ge [sflag:s29], $0x1400  }
0x3c: {  	[sflag:s29] =	ssyncset.done $0x0  }
0x3d: {  	s14 =	rddreg [dreg:$0x7];
	[sflag:s29] =	ssyncadd.s32 $0xFFFFEC00  }
0x3e: {  	[spmem:s14] =	stream.linear.scatter [tilespmem:s28], [sflag:$0x5], $0x1400, $0x38;
	[tilespmem:$0x1E800] =	vst v63  }
0x3f: {  	_ =	swait.ge [sflag:s29], $0x1400  }
0x40: {  	[sflag:s29] =	ssyncset.done $0x0  }
0x41: {  	s15 =	rddreg [dreg:$0x8];
	[sflag:s29] =	ssyncadd.s32 $0xFFFFEC00  }
0x42: {  	[spmem:s15] =	stream.linear.scatter [tilespmem:s28], [sflag:$0x5], $0x1400, $0x38;
	[tilespmem:$0x1E800] =	vst v63  }
0x43: {  	_ =	swait.ge [sflag:s29], $0x1400  }
0x44: {  	[sflag:s29] =	ssyncset.done $0x0  }
0x45: {  	s14 =	rddreg [dreg:$0x9];
	[sflag:s29] =	ssyncadd.s32 $0xFFFFEC00  }
0x46: {  	[spmem:s14] =	stream.linear.scatter [tilespmem:s28], [sflag:$0x5], $0x1400, $0x38;
	[tilespmem:$0x1E800] =	vst v63  }
0x47: {  	_ =	swait.ge [sflag:s29], $0x1400  }
0x48: {  	[sflag:s29] =	ssyncset.done $0x0  }
0x49: {  	s15 =	rddreg [dreg:$0xa];
	[sflag:s29] =	ssyncadd.s32 $0xFFFFEC00  }
0x4a: {  	[spmem:s15] =	stream.linear.scatter [tilespmem:s28], [sflag:$0x5], $0x1400, $0x38;
	[tilespmem:$0x1E800] =	vst v63  }
0x4b: {  	_ =	swait.ge [sflag:s29], $0x1400  }
0x4c: {  	[sflag:s29] =	ssyncset.done $0x0  }
0x4d: {  	s14 =	rddreg [dreg:$0xb];
	[sflag:s29] =	ssyncadd.s32 $0xFFFFEC00  }
0x4e: {  	[spmem:s14] =	stream.linear.scatter [tilespmem:s28], [sflag:$0x5], $0x1400, $0x38;
	[tilespmem:$0x1E800] =	vst v63  }
0x4f: {  	_ =	swait.ge [sflag:s29], $0x1400  }
0x50: {  	[sflag:s29] =	ssyncset.done $0x0  }
0x51: {  	s15 =	rddreg [dreg:$0xc];
	[sflag:s29] =	ssyncadd.s32 $0xFFFFEC00  }
0x52: {  	[spmem:s15] =	stream.linear.scatter [tilespmem:s28], [sflag:$0x5], $0x1400, $0x38;
	[tilespmem:$0x1E800] =	vst v63  }
0x53: {  	_ =	swait.ge [sflag:s29], $0x1400  }
0x54: {  	[sflag:s29] =	ssyncset.done $0x0  }
0x55: {  	s14 =	rddreg [dreg:$0xd];
	[sflag:s29] =	ssyncadd.s32 $0xFFFFEC00  }
0x56: {  	[spmem:s14] =	stream.linear.scatter [tilespmem:s28], [sflag:$0x5], $0x1400, $0x38;
	[tilespmem:$0x1E800] =	vst v63  }
0x57: {  	_ =	swait.ge [sflag:s29], $0x1400  }
0x58: {  	[sflag:s29] =	ssyncset.done $0x0  }
0x59: {  	s15 =	rddreg [dreg:$0xe];
	[sflag:s29] =	ssyncadd.s32 $0xFFFFEC00  }
0x5a: {  	[spmem:s15] =	stream.linear.scatter [tilespmem:s28], [sflag:$0x5], $0x1400, $0x38;
	[tilespmem:$0x1E800] =	vst v63  }
0x5b: {  	_ =	swait.ge [sflag:s29], $0x1400  }
0x5c: {  	[sflag:s29] =	ssyncset.done $0x0  }
0x5d: {  	[sflag:s29] =	ssyncadd.s32 $0xFFFFEC00  }
0x5e: {  	[spmem:s16] =	stream.linear.scatter [tilespmem:s28], [sflag:$0x5], $0x1400, $0x38;
	[tilespmem:$0x1E800] =	vst v63  }
0x5f: {  	_ =	swait.ge [sflag:s29], $0x1400  }
0x60: {  	[sflag:s29] =	ssyncset.done $0x0  }
0x61: {  	[sflag:s29] =	ssyncadd.s32 $0xFFFFEC00  }
0x62: {  	[spmem:s17] =	stream.linear.scatter [tilespmem:s28], [sflag:$0x5], $0x1400, $0x38;
	[tilespmem:$0x1E800] =	vst v63  }
0x63: {  	_ =	swait.ge [sflag:s29], $0x1400  }
0x64: {  	[sflag:s29] =	ssyncset.done $0x0  }
0x65: {  	[sflag:s29] =	ssyncadd.s32 $0xFFFFEC00  }
0x66: {  	[spmem:s18] =	stream.linear.scatter [tilespmem:s28], [sflag:$0x5], $0x1400, $0x38;
	[tilespmem:$0x1E800] =	vst v63  }
0x67: {  	_ =	swait.ge [sflag:s29], $0x1400  }
0x68: {  	[sflag:s29] =	ssyncset.done $0x0  }
0x69: {  	[sflag:s29] =	ssyncadd.s32 $0xFFFFEC00  }
0x6a: {  	[spmem:s19] =	stream.linear.scatter [tilespmem:s28], [sflag:$0x5], $0x1400, $0x38;
	[tilespmem:$0x1E800] =	vst v63  }
0x6b: {  	_ =	swait.ge [sflag:s29], $0x1400  }
0x6c: {  	[sflag:s29] =	ssyncset.done $0x0  }
0x6d: {  	[sflag:s29] =	ssyncadd.s32 $0xFFFFEC00  }
0x6e: {  	[spmem:s20] =	stream.linear.scatter [tilespmem:s28], [sflag:$0x5], $0x1400, $0x38;
	[tilespmem:$0x1E800] =	vst v63  }
0x6f: {  	_ =	swait.ge [sflag:s29], $0x1400  }
0x70: {  	[sflag:s29] =	ssyncset.done $0x0  }
0x71: {  	[sflag:s29] =	ssyncadd.s32 $0xFFFFEC00  }
0x72: {  	[bflag:$0x0] =	sbarrier.arrive $0xFFFF  }
0x73: {  	[tilespmem:s4], [sflag:$0x5] =	stream.linear.gather [hbm4b:s21+s4], $0x1400, $0x38;
	[tilespmem:$0x1E800] =	vst v63  }
0x74: {  	_ =	swait.ge [sflag:s29], $0x1400  }
0x75: {  	[sflag:s29] =	ssyncset.done $0x0  }
0x76: {  	[sflag:s29] =	ssyncadd.s32 $0xFFFFEC00  }
0x77: {  	[tilespmem:s30], [sflag:$0x5] =	stream.linear.gather [hbm4b:s22+s4], $0x1400, $0x38;
	[tilespmem:$0x1E800] =	vst v63  }
0x78: {  	_ =	swait.ge [sflag:s29], $0x1400  }
0x79: {  	[sflag:s29] =	ssyncset.done $0x0  }
0x7a: {  	[sflag:s29] =	ssyncadd.s32 $0xFFFFEC00  }
0x7b: {  	[tilespmem:s28], [sflag:$0x1] =	stream.indirect.gather [hbm4b:s1+s31], $0x80, s4, s31, $0xb8;
	[tilespmem:$0x1E800] =	vst v63  }
0x7c: {  	_ =	swait.ge [sflag:s2], $0x3E80  }
0x7d: {  	[sflag:s2] =	ssyncset.done $0x0  }
0x7e: {  	[sflag:s2] =	ssyncadd.s32 $0xFFFFC180  }
0x7f: {  	[spmem:s3] =	stream.indirect.scatter.add.f32 [tilespmem:s28], [sflag:$0x3], $0x80, s30, s31, $0xb8;
	[tilespmem:$0x1E800] =	vst v63  }
0x80: {  	_ = 	snop  }
0x81: {  	[tilespmem:s6], [sflag:$0x2] =	stream.indirect.gather [hbm4b:s1+s31], $0x80, s0, s31, $0xb8;
	[tilespmem:$0x1E800] =	vst v63  }
0x82: {  	_ =	swait.ge [sflag:s7], $0x3E80  }
0x83: {  	[sflag:s7] =	ssyncset.done $0x0  }
0x84: {  	[sflag:s7] =	ssyncadd.s32 $0xFFFFC180  }
0x85: {  	[spmem:s3] =	stream.indirect.scatter.add.f32 [tilespmem:s6], [sflag:$0x4], $0x80, s8, s31, $0xb8;
	[tilespmem:$0x1E800] =	vst v63  }
0x86: {  	_ =	swait.ge [sflag:s9], $0x3E80  }
0x87: {  	[sflag:s9] =	ssyncset.done $0x0  }
0x88: {  	s13 =	simm.s32 $0xFFFFB800;
	[sflag:s9] =	ssyncadd.s32 $0xFFFFC180  }
0x89: {  	[tilespmem:s28], [sflag:$0x1] =	stream.indirect.gather [hbm4b:s1+s31], $0x80, s10, s31, $0xb8;
	[tilespmem:$0x1E800] =	vst v63  }
.LBB2_4:
0x8a: {  	_ =	swait.ge [sflag:s2], $0x3E80  }
0x8b: {  	s14 =	sshra.s32 s13, $0x2;
	[sflag:s2] =	ssyncset.done $0x0  }
0x8c: {  	s15 =	sadd.s32 $0x2700, s14;
	[sflag:s2] =	ssyncadd.s32 $0xFFFFC180  }
0x8d: {  	[spmem:s3] =	stream.indirect.scatter.add.f32 [tilespmem:s28], [sflag:$0x3], $0x80, s15, s31, $0xb8;
	[tilespmem:$0x1E800] =	vst v63  }
0x8e: {  	_ =	swait.ge [sflag:s11], $0x3E80  }
0x8f: {  	[sflag:s11] =	ssyncset.done $0x0  }
0x90: {  	s15 =	sadd.s32 $0x1380, s14;
	[sflag:s11] =	ssyncadd.s32 $0xFFFFC180  }
0x91: {  	[tilespmem:s6], [sflag:$0x2] =	stream.indirect.gather [hbm4b:s1+s31], $0x80, s15, s31, $0xb8;
	[tilespmem:$0x1E800] =	vst v63  }
0x92: {  	_ =	swait.ge [sflag:s7], $0x3E80  }
0x93: {  	p0 =	seq.s32 s13, $0x0;
	[sflag:s7] =	ssyncset.done $0x0  }
.Ltmp3:
0x94: {  	s15 =	sadd.s32 $0x2780, s14;
	[sflag:s7] =	ssyncadd.s32 $0xFFFFC180;
	(pc) =	sbr.rel @p0 .LBB2_6-.Ltmp3, $4  }
0x95: {  	[spmem:s3] =	stream.indirect.scatter.add.f32 [tilespmem:s6], [sflag:$0x4], $0x80, s15, s31, $0xb8;
	[tilespmem:$0x1E800] =	vst v63  }
0x96: {  	_ =	swait.ge [sflag:s9], $0x3E80  }
0x97: {  	[sflag:s9] =	ssyncset.done $0x0  }
0x98: {  	[sflag:s9] =	ssyncadd.s32 $0xFFFFC180  }
.Ltmp4:
0x99: {  	(pc) =	sbr.rel .LBB2_4-.Ltmp4, $3  }
0x9a: {  	_ =	sdelay $0x1  }
0x9b: {  	s14 =	sadd.s32 $0x1400, s14;
	s13 =	sadd.s32 $0x400, s13  }
0x9c: {  	[tilespmem:s28], [sflag:$0x1] =	stream.indirect.gather [hbm4b:s1+s31], $0x80, s14, s31, $0xb8;
	[tilespmem:$0x1E800] =	vst v63  }
.LBB2_6:
0x9d: {  	_ =	swait.ge [sflag:s11], $0x3E80  }
0x9e: {  	[sflag:s11] =	ssyncset.done $0x0  }
0x9f: {  	[sflag:s11] =	ssyncadd.s32 $0xFFFFC180  }
0xa0: {  	[tilespmem:s4], [sflag:$0x5] =	stream.linear.gather [hbm4b:s23+s4], $0x1400, $0x38;
	[tilespmem:$0x1E800] =	vst v63  }
0xa1: {  	_ =	swait.ge [sflag:s29], $0x1400  }
0xa2: {  	[sflag:s29] =	ssyncset.done $0x0  }
0xa3: {  	[sflag:s29] =	ssyncadd.s32 $0xFFFFEC00  }
0xa4: {  	[tilespmem:s30], [sflag:$0x5] =	stream.linear.gather [hbm4b:s26+s4], $0x1400, $0x38;
	[tilespmem:$0x1E800] =	vst v63  }
0xa5: {  	_ =	swait.ge [sflag:s29], $0x1400  }
0xa6: {  	[sflag:s29] =	ssyncset.done $0x0  }
0xa7: {  	[sflag:s29] =	ssyncadd.s32 $0xFFFFEC00  }
0xa8: {  	[tilespmem:s28], [sflag:$0x1] =	stream.indirect.gather [hbm4b:s1+s31], $0x80, s4, s31, $0xb8;
	[tilespmem:$0x1E800] =	vst v63  }
0xa9: {  	_ =	swait.ge [sflag:s2], $0x3E80  }
0xaa: {  	[sflag:s2] =	ssyncset.done $0x0  }
0xab: {  	[sflag:s2] =	ssyncadd.s32 $0xFFFFC180  }
0xac: {  	[spmem:s3] =	stream.indirect.scatter.add.f32 [tilespmem:s28], [sflag:$0x3], $0x80, s30, s31, $0xb8;
	[tilespmem:$0x1E800] =	vst v63  }
0xad: {  	_ = 	snop  }
0xae: {  	[tilespmem:s6], [sflag:$0x2] =	stream.indirect.gather [hbm4b:s1+s31], $0x80, s0, s31, $0xb8;
	[tilespmem:$0x1E800] =	vst v63  }
0xaf: {  	_ =	swait.ge [sflag:s7], $0x3E80  }
0xb0: {  	[sflag:s7] =	ssyncset.done $0x0  }
0xb1: {  	[sflag:s7] =	ssyncadd.s32 $0xFFFFC180  }
0xb2: {  	[spmem:s3] =	stream.indirect.scatter.add.f32 [tilespmem:s6], [sflag:$0x4], $0x80, s8, s31, $0xb8;
	[tilespmem:$0x1E800] =	vst v63  }
0xb3: {  	_ =	swait.ge [sflag:s9], $0x3E80  }
0xb4: {  	[sflag:s9] =	ssyncset.done $0x0  }
0xb5: {  	s13 =	simm.s32 $0xFFFFB800;
	[sflag:s9] =	ssyncadd.s32 $0xFFFFC180  }
0xb6: {  	[tilespmem:s28], [sflag:$0x1] =	stream.indirect.gather [hbm4b:s1+s31], $0x80, s10, s31, $0xb8;
	[tilespmem:$0x1E800] =	vst v63  }
.LBB2_7:
0xb7: {  	_ =	swait.ge [sflag:s2], $0x3E80  }
0xb8: {  	s14 =	sshra.s32 s13, $0x2;
	[sflag:s2] =	ssyncset.done $0x0  }
0xb9: {  	s15 =	sadd.s32 $0x2700, s14;
	[sflag:s2] =	ssyncadd.s32 $0xFFFFC180  }
0xba: {  	[spmem:s3] =	stream.indirect.scatter.add.f32 [tilespmem:s28], [sflag:$0x3], $0x80, s15, s31, $0xb8;
	[tilespmem:$0x1E800] =	vst v63  }
0xbb: {  	_ =	swait.ge [sflag:s11], $0x3E80  }
0xbc: {  	[sflag:s11] =	ssyncset.done $0x0  }
0xbd: {  	s15 =	sadd.s32 $0x1380, s14;
	[sflag:s11] =	ssyncadd.s32 $0xFFFFC180  }
0xbe: {  	[tilespmem:s6], [sflag:$0x2] =	stream.indirect.gather [hbm4b:s1+s31], $0x80, s15, s31, $0xb8;
	[tilespmem:$0x1E800] =	vst v63  }
0xbf: {  	_ =	swait.ge [sflag:s7], $0x3E80  }
0xc0: {  	p0 =	seq.s32 s13, $0x0;
	[sflag:s7] =	ssyncset.done $0x0  }
.Ltmp5:
0xc1: {  	s15 =	sadd.s32 $0x2780, s14;
	[sflag:s7] =	ssyncadd.s32 $0xFFFFC180;
	(pc) =	sbr.rel @p0 .LBB2_9-.Ltmp5, $4  }
0xc2: {  	[spmem:s3] =	stream.indirect.scatter.add.f32 [tilespmem:s6], [sflag:$0x4], $0x80, s15, s31, $0xb8;
	[tilespmem:$0x1E800] =	vst v63  }
0xc3: {  	_ =	swait.ge [sflag:s9], $0x3E80  }
0xc4: {  	[sflag:s9] =	ssyncset.done $0x0  }
0xc5: {  	[sflag:s9] =	ssyncadd.s32 $0xFFFFC180  }
.Ltmp6:
0xc6: {  	(pc) =	sbr.rel .LBB2_7-.Ltmp6, $3  }
0xc7: {  	_ =	sdelay $0x1  }
0xc8: {  	s14 =	sadd.s32 $0x1400, s14;
	s13 =	sadd.s32 $0x400, s13  }
0xc9: {  	[tilespmem:s28], [sflag:$0x1] =	stream.indirect.gather [hbm4b:s1+s31], $0x80, s14, s31, $0xb8;
	[tilespmem:$0x1E800] =	vst v63  }
.LBB2_10:
0xca: {  	_ =	sfence.sel $0x180000  }
0xcb: {  	[bflag:$0x0] =	sbarrier.arrive $0xFFFF  }
0xcc: {  	_ =	strace $0x90000047  }
0xcd: {  	s0 =	stileid.u32;
	[bflag:$0x2] =	sbarrier.arrive $0xFFFF  }
0xce: {  	p0 =	sne.s32 s0, $0x0;
	s0 =	rddreg [dreg:$0x4]  }
0xcf: {  	s0 =	sadd.s32 @!p0 $0x100000, s0  }
0xd0: {  	[sflag:s0] =	ssyncadd.tile.s32 @!p0 $0x1;
	_ =	shalt  }
.Lfunc_end2:
_tile_overlayer_lowered:
.L_overlay_start_2:
0xd1: {  	(tag) =	ssettag $0x2  }
0xd2: {  	s0 =	rddreg [dreg:$0x0];
	s2 =	stileid.u32  }
0xd3: {  	s1 =	rddreg [dreg:$0x1];
	p0 =	sne.s32 s2, $0x0  }
0xd4: {  	s3 =	rddreg [dreg:$0x2];
	[bflag:$0x3] =	sbarrier.arrive $0xFFFF;
	s2 =	simm.s32 @!p0 $0x1C05  }
0xd5: {  	[timem:s3], [sflag:s2] =	dma.local @!p0 [hbm:s0], s1  }
0xd6: {  	s0 =	simm.s32 @!p0 $0x5  }
0xd7: {  	_ =	swait.ge @!p0 [sflag:s0], s1  }
0xd8: {  	s1 =	ssub.s32 @!p0 $0x0, s1;
	[sflag:s0] =	ssyncset.done @!p0 $0x0  }
0xd9: {  	[sflag:s0] =	ssyncadd.s32 @!p0 s1  }
0xda: {  	[bflag:$0x3] =	sbarrier.arrive $0xFFFF  }
0xdb: {  	_ =	shalt  }

</sc_bundles>
